<compile_context>
chip_gen: v7x
topology: tpu7x:2x2x1
jax: 0.10.2.dev20260603
libtpu: 0.0.44.dev20260713+nightly
codegen_flags: <defaults>
</compile_context>

<pallas_src>
import functools

import jax
import jax.numpy as jnp
from jax import lax
from jax.experimental import pallas as pl
from jax.experimental.pallas import tpu as pltpu
from jax.experimental.pallas import tpu_sc as plsc

EMBED_DIM = 64
PAD_DIM = 128
SCALE = 8.0

_info = plsc.get_sparse_core_info()
NC, NS, L = _info.num_cores, _info.num_subcores, _info.num_lanes
NW = NC * NS

IDX_PER_STREAM = 128
STREAMS_PER_CHUNK = 2
CHUNK = IDX_PER_STREAM * STREAMS_PER_CHUNK


def _emb_body(n_chunks, table_hbm, idx_hbm, out_hbm,
              idx_all, buf0, buf1, sem0, sem1):
    wid = lax.axis_index("s") * NC + lax.axis_index("c")
    irows = n_chunks * STREAMS_PER_CHUNK
    irow0 = wid * irows
    row_base = irow0 * IDX_PER_STREAM

    pltpu.sync_copy(idx_hbm.at[pl.ds(irow0, irows)], idx_all)

    def fire(g, buf, sem):
        for j in range(STREAMS_PER_CHUNK):
            pltpu.async_copy(
                table_hbm.at[idx_all.at[g * STREAMS_PER_CHUNK + j]],
                buf.at[pl.ds(j * IDX_PER_STREAM, IDX_PER_STREAM)],
                sem,
            )

    def drain(buf, sem):
        pltpu.make_async_copy(table_hbm.at[pl.ds(0, CHUNK)], buf, sem).wait()

    def scale(buf):
        @plsc.parallel_loop(0, CHUNK, unroll=8)
        def _(r):
            for c in range(EMBED_DIM // L):
                buf[r, pl.ds(c * L, L)] = buf[r, pl.ds(c * L, L)] * SCALE

    def store(g, buf):
        pltpu.sync_copy(buf, out_hbm.at[pl.ds(row_base + g * CHUNK, CHUNK)])

    n_pairs = n_chunks // 2
    fire(0, buf0, sem0)

    def pair(p, carry):
        g0 = p * 2
        fire(g0 + 1, buf1, sem1)
        drain(buf0, sem0)
        scale(buf0)
        store(g0, buf0)
        fire(g0 + 2, buf0, sem0)
        drain(buf1, sem1)
        scale(buf1)
        store(g0 + 1, buf1)
        return carry

    lax.fori_loop(0, n_pairs - 1, pair, 0)

    g0 = (n_pairs - 1) * 2
    fire(g0 + 1, buf1, sem1)
    drain(buf0, sem0)
    scale(buf0)
    store(g0, buf0)
    drain(buf1, sem1)
    scale(buf1)
    store(g0 + 1, buf1)


def kernel(tokens, table):
    n_tok = tokens.shape[0] * tokens.shape[1]
    assert n_tok % (NW * CHUNK * 2) == 0
    n_chunks = n_tok // (NW * CHUNK)
    idx2d = tokens.reshape(n_tok // IDX_PER_STREAM, IDX_PER_STREAM)
    vocab = table.shape[0]
    table128 = jnp.concatenate(
        [table, jnp.zeros((vocab, PAD_DIM - EMBED_DIM), table.dtype)], axis=1)

    mesh = plsc.VectorSubcoreMesh(core_axis_name="c", subcore_axis_name="s")
    out = pl.kernel(
        functools.partial(_emb_body, n_chunks),
        out_type=jax.ShapeDtypeStruct((n_tok, PAD_DIM), jnp.float32),
        mesh=mesh,
        scratch_types=[
            pltpu.VMEM((n_chunks * STREAMS_PER_CHUNK, IDX_PER_STREAM),
                       jnp.int32),
            pltpu.VMEM((CHUNK, PAD_DIM), jnp.float32),
            pltpu.VMEM((CHUNK, PAD_DIM), jnp.float32),
            pltpu.SemaphoreType.DMA,
            pltpu.SemaphoreType.DMA,
        ],
        compiler_params=pltpu.CompilerParams(use_tc_tiling_on_sc=True),
    )(table128, idx2d)
    out = out[:, :EMBED_DIM]
    return out.reshape(tokens.shape[0], tokens.shape[1], EMBED_DIM)

# --- scband reference (transcript-rebuilt; emitter-appended) ---
"""Pipeline reference for scband-token-embedding-27650999452017 (READ-ONLY COPY).

The authoritative reference and input builder live on the scoring server;
editing this copy changes nothing except your own understanding.
"""

import jax, jax.numpy as jnp
import numpy as np
import math

CHARSET_SIZE = 1000000
EMBED_DIM = 64

def setup_inputs(seed: int = 0) -> dict:
    key = jax.random.key(seed)
    k1, k2 = jax.random.split(key)
    tokens = jax.random.randint(k1, (4096, 200), 0, CHARSET_SIZE, dtype=jnp.int64 if jax.config.jax_enable_x64 else jnp.int32).astype(jnp.int32)
    table = jax.random.normal(k2, (CHARSET_SIZE, EMBED_DIM), dtype=jnp.float32)
    return {"tokens": tokens, "table": table}

def reference(tokens, table):
    # TokenEmbedding.forward: sqrt(embed_dim) * embedding(tokens)
    emb = jnp.take(table, tokens, axis=0)
    return math.sqrt(EMBED_DIM) * emb

if __name__ == "__main__":
    import jax
    _d = setup_inputs()
    print(jax.jit(kernel)(*tuple(_d.values())))

</pallas_src>

<mosaic_0001>
#map = affine_map<(d0, d1) -> (0, 0)>
module attributes {stable_mosaic.version = 14 : i64} {
  func.func @_emb_body(%arg0: i32, %arg1: i32, %arg2: memref<1000000x128xf32, #tpu.memory_space<hbm>>, %arg3: memref<6400x128xi32, #tpu.memory_space<hbm>>, %arg4: memref<819200x128xf32, #tpu.memory_space<hbm>>, %arg5: memref<200x128xi32, #tpu.memory_space<vmem>>, %arg6: memref<256x128xf32, #tpu.memory_space<vmem>>, %arg7: memref<256x128xf32, #tpu.memory_space<vmem>>, %arg8: memref<!tpu.dma_semaphore, #tpu.memory_space<semaphore_mem>>, %arg9: memref<!tpu.dma_semaphore, #tpu.memory_space<semaphore_mem>>) attributes {dimension_semantics = [#tpu.dimension_semantics<core_parallel>, #tpu.dimension_semantics<subcore_parallel>], iteration_bounds = array<i64: 2, 16>, scalar_prefetch = 0 : i64, scratch_operands = 5 : i64, tpu.core_type = #tpu.core_type<sc_vector_subcore>, window_params = [{transform_indices = #map}, {transform_indices = #map}, {transform_indices = #map}]} {
    %mul3A = arith.constant 2 : i32
    %mul3A_0 = arith.muli %arg1, %mul3A : i32
    %add3A = arith.addi %mul3A_0, %arg0 : i32
    %mul3A_1 = arith.constant 200 : i32
    %mul3A_2 = arith.muli %add3A, %mul3A_1 : i32
    %mul3A_3 = arith.constant 128 : i32
    %mul3A_4 = arith.muli %mul3A_2, %mul3A_3 : i32
    "tpu.region"() ({
      %run_scoped3A = tpu.sem_alloc : memref<!tpu.dma_semaphore, #tpu.memory_space<semaphore_mem>>
      %dma_start3A_69 = arith.constant 0 : i32
      %dma_start3A_70 = tpu.memref_slice %arg3[%mul3A_2, %dma_start3A_69] : memref<6400x128xi32, #tpu.memory_space<hbm>> -> memref<200x128xi32, #tpu.memory_space<hbm>>
      %dma_start3A_71 = arith.constant 0 : i32
      %dma_start3A_72 = tpu.memref_slice %arg3[%mul3A_2, %dma_start3A_71] : memref<6400x128xi32, #tpu.memory_space<hbm>> -> memref<200x128xi32, #tpu.memory_space<hbm>>
      tpu.enqueue_dma source(%dma_start3A_72 : memref<200x128xi32, #tpu.memory_space<hbm>>) target(%arg5 : memref<200x128xi32, #tpu.memory_space<vmem>>) target_semaphore(%run_scoped3A : memref<!tpu.dma_semaphore, #tpu.memory_space<semaphore_mem>>)
      %dma_wait3A_73 = arith.constant 0 : i32
      %dma_wait3A_74 = tpu.memref_slice %arg3[%mul3A_2, %dma_wait3A_73] : memref<6400x128xi32, #tpu.memory_space<hbm>> -> memref<200x128xi32, #tpu.memory_space<hbm>>
      %dma_wait3A_75 = arith.constant 0 : i32
      %dma_wait3A_76 = tpu.memref_slice %arg3[%mul3A_2, %dma_wait3A_75] : memref<6400x128xi32, #tpu.memory_space<hbm>> -> memref<200x128xi32, #tpu.memory_space<hbm>>
      tpu.wait_dma2 semaphore(%run_scoped3A : memref<!tpu.dma_semaphore, #tpu.memory_space<semaphore_mem>>) src(%dma_wait3A_76 : memref<200x128xi32, #tpu.memory_space<hbm>>) dst(%arg5 : memref<200x128xi32, #tpu.memory_space<vmem>>)
      tpu.yield
    }) : () -> ()
    %dma_start3A = arith.constant 0 : i32
    %dma_start3A_5 = arith.constant 0 : i32
    %dma_start3A_6 = arith.constant 0 : i32
    %dma_start3A_7 = tpu.memref_slice %arg6[%dma_start3A_5, %dma_start3A_6] : memref<256x128xf32, #tpu.memory_space<vmem>> -> memref<128x128xf32, #tpu.memory_space<vmem>>
    %dma_start3A_8 = arith.constant 0 : i32
    %dma_start3A_9 = tpu.memref_slice %arg5[%dma_start3A, %dma_start3A_8] : memref<200x128xi32, #tpu.memory_space<vmem>> -> memref<1x128xi32, #tpu.memory_space<vmem>>
    %dma_start3A_10 = tpu.memref_squeeze %dma_start3A_9 : memref<1x128xi32, #tpu.memory_space<vmem>> -> memref<128xi32, #tpu.memory_space<vmem>>
    %dma_start3A_11 = arith.constant 0 : i32
    %dma_start3A_12 = arith.constant 0 : i32
    %dma_start3A_13 = tpu.memref_slice %arg2[%dma_start3A_11, %dma_start3A_12] : memref<1000000x128xf32, #tpu.memory_space<hbm>> -> memref<1000000x128xf32, #tpu.memory_space<hbm>>
    tpu.enqueue_indirect_dma source(%dma_start3A_13 : memref<1000000x128xf32, #tpu.memory_space<hbm>>) target(%dma_start3A_7 : memref<128x128xf32, #tpu.memory_space<vmem>>) offsets(%dma_start3A_10 : memref<128xi32, #tpu.memory_space<vmem>>) semaphore(%arg8 : memref<!tpu.dma_semaphore, #tpu.memory_space<semaphore_mem>>)
    %dma_start3A_14 = arith.constant 1 : i32
    %dma_start3A_15 = arith.constant 128 : i32
    %dma_start3A_16 = arith.constant 0 : i32
    %dma_start3A_17 = tpu.memref_slice %arg6[%dma_start3A_15, %dma_start3A_16] : memref<256x128xf32, #tpu.memory_space<vmem>> -> memref<128x128xf32, #tpu.memory_space<vmem>>
    %dma_start3A_18 = arith.constant 0 : i32
    %dma_start3A_19 = tpu.memref_slice %arg5[%dma_start3A_14, %dma_start3A_18] : memref<200x128xi32, #tpu.memory_space<vmem>> -> memref<1x128xi32, #tpu.memory_space<vmem>>
    %dma_start3A_20 = tpu.memref_squeeze %dma_start3A_19 : memref<1x128xi32, #tpu.memory_space<vmem>> -> memref<128xi32, #tpu.memory_space<vmem>>
    %dma_start3A_21 = arith.constant 0 : i32
    %dma_start3A_22 = arith.constant 0 : i32
    %dma_start3A_23 = tpu.memref_slice %arg2[%dma_start3A_21, %dma_start3A_22] : memref<1000000x128xf32, #tpu.memory_space<hbm>> -> memref<1000000x128xf32, #tpu.memory_space<hbm>>
    tpu.enqueue_indirect_dma source(%dma_start3A_23 : memref<1000000x128xf32, #tpu.memory_space<hbm>>) target(%dma_start3A_17 : memref<128x128xf32, #tpu.memory_space<vmem>>) offsets(%dma_start3A_20 : memref<128xi32, #tpu.memory_space<vmem>>) semaphore(%arg8 : memref<!tpu.dma_semaphore, #tpu.memory_space<semaphore_mem>>)
    %scan3A = arith.constant 0 : i32
    %scan3A_24 = arith.constant 0 : i32
    %scan3A_25 = arith.constant 49 : i32
    %scan3A_26 = arith.addi %scan3A_24, %scan3A_25 : i32
    %scan3A_27 = arith.constant 1 : i32
    scf.for %scan3A_69 = %scan3A_24 to %scan3A_26 step %scan3A_27  : i32 {
      %mul3A_70 = arith.constant 2 : i32
      %mul3A_71 = arith.muli %scan3A_69, %mul3A_70 : i32
      %add3A_72 = arith.constant 1 : i32
      %add3A_73 = arith.addi %mul3A_71, %add3A_72 : i32
      %mul3A_74 = arith.constant 2 : i32
      %mul3A_75 = arith.muli %add3A_73, %mul3A_74 : i32
      %add3A_76 = arith.constant 0 : i32
      %add3A_77 = arith.addi %mul3A_75, %add3A_76 : i32
      %dma_start3A_78 = arith.constant 0 : i32
      %dma_start3A_79 = arith.constant 0 : i32
      %dma_start3A_80 = tpu.memref_slice %arg7[%dma_start3A_78, %dma_start3A_79] : memref<256x128xf32, #tpu.memory_space<vmem>> -> memref<128x128xf32, #tpu.memory_space<vmem>>
      %dma_start3A_81 = arith.constant 0 : i32
      %dma_start3A_82 = tpu.memref_slice %arg5[%add3A_77, %dma_start3A_81] : memref<200x128xi32, #tpu.memory_space<vmem>> -> memref<1x128xi32, #tpu.memory_space<vmem>>
      %dma_start3A_83 = tpu.memref_squeeze %dma_start3A_82 : memref<1x128xi32, #tpu.memory_space<vmem>> -> memref<128xi32, #tpu.memory_space<vmem>>
      %dma_start3A_84 = arith.constant 0 : i32
      %dma_start3A_85 = arith.constant 0 : i32
      %dma_start3A_86 = tpu.memref_slice %arg2[%dma_start3A_84, %dma_start3A_85] : memref<1000000x128xf32, #tpu.memory_space<hbm>> -> memref<1000000x128xf32, #tpu.memory_space<hbm>>
      tpu.enqueue_indirect_dma source(%dma_start3A_86 : memref<1000000x128xf32, #tpu.memory_space<hbm>>) target(%dma_start3A_80 : memref<128x128xf32, #tpu.memory_space<vmem>>) offsets(%dma_start3A_83 : memref<128xi32, #tpu.memory_space<vmem>>) semaphore(%arg9 : memref<!tpu.dma_semaphore, #tpu.memory_space<semaphore_mem>>)
      %mul3A_87 = arith.constant 2 : i32
      %mul3A_88 = arith.muli %add3A_73, %mul3A_87 : i32
      %add3A_89 = arith.constant 1 : i32
      %add3A_90 = arith.addi %mul3A_88, %add3A_89 : i32
      %dma_start3A_91 = arith.constant 128 : i32
      %dma_start3A_92 = arith.constant 0 : i32
      %dma_start3A_93 = tpu.memref_slice %arg7[%dma_start3A_91, %dma_start3A_92] : memref<256x128xf32, #tpu.memory_space<vmem>> -> memref<128x128xf32, #tpu.memory_space<vmem>>
      %dma_start3A_94 = arith.constant 0 : i32
      %dma_start3A_95 = tpu.memref_slice %arg5[%add3A_90, %dma_start3A_94] : memref<200x128xi32, #tpu.memory_space<vmem>> -> memref<1x128xi32, #tpu.memory_space<vmem>>
      %dma_start3A_96 = tpu.memref_squeeze %dma_start3A_95 : memref<1x128xi32, #tpu.memory_space<vmem>> -> memref<128xi32, #tpu.memory_space<vmem>>
      %dma_start3A_97 = arith.constant 0 : i32
      %dma_start3A_98 = arith.constant 0 : i32
      %dma_start3A_99 = tpu.memref_slice %arg2[%dma_start3A_97, %dma_start3A_98] : memref<1000000x128xf32, #tpu.memory_space<hbm>> -> memref<1000000x128xf32, #tpu.memory_space<hbm>>
      tpu.enqueue_indirect_dma source(%dma_start3A_99 : memref<1000000x128xf32, #tpu.memory_space<hbm>>) target(%dma_start3A_93 : memref<128x128xf32, #tpu.memory_space<vmem>>) offsets(%dma_start3A_96 : memref<128xi32, #tpu.memory_space<vmem>>) semaphore(%arg9 : memref<!tpu.dma_semaphore, #tpu.memory_space<semaphore_mem>>)
      %dma_wait3A_100 = arith.constant 0 : i32
      %dma_wait3A_101 = arith.constant 0 : i32
      %dma_wait3A_102 = tpu.memref_slice %arg2[%dma_wait3A_100, %dma_wait3A_101] : memref<1000000x128xf32, #tpu.memory_space<hbm>> -> memref<256x128xf32, #tpu.memory_space<hbm>>
      %dma_wait3A_103 = arith.constant 0 : i32
      %dma_wait3A_104 = arith.constant 0 : i32
      %dma_wait3A_105 = tpu.memref_slice %arg2[%dma_wait3A_103, %dma_wait3A_104] : memref<1000000x128xf32, #tpu.memory_space<hbm>> -> memref<256x128xf32, #tpu.memory_space<hbm>>
      tpu.wait_dma2 semaphore(%arg8 : memref<!tpu.dma_semaphore, #tpu.memory_space<semaphore_mem>>) src(%dma_wait3A_105 : memref<256x128xf32, #tpu.memory_space<hbm>>) dst(%arg6 : memref<256x128xf32, #tpu.memory_space<vmem>>)
      %parallel_loop3A_106 = arith.constant 0 : i32
      %parallel_loop3A_107 = arith.constant 256 : i32
      %parallel_loop3A_108 = arith.constant 1 : i32
      scf.for %parallel_loop3A_154 = %parallel_loop3A_106 to %parallel_loop3A_107 step %parallel_loop3A_108  : i32 {
        %parallel_loop3A_155 = arith.index_cast %parallel_loop3A_154 : i32 to index
        %parallel_loop3A_156 = arith.constant 0 : index
        %parallel_loop3A_157 = tpu.vector_load %arg6[%parallel_loop3A_155, %parallel_loop3A_156] {strides = array<i32>} : memref<256x128xf32, #tpu.memory_space<vmem>>, vector<1x16xf32>,
        %parallel_loop3A_158 = vector.shape_cast %parallel_loop3A_157 : vector<1x16xf32> to vector<16xf32>
        %parallel_loop3A_159 = arith.constant 8.000000e+00 : f32
        %parallel_loop3A_160 = vector.broadcast %parallel_loop3A_159 : f32 to vector<16xf32>
        %parallel_loop3A_161 = arith.mulf %parallel_loop3A_158, %parallel_loop3A_160 : vector<16xf32>
        %parallel_loop3A_162 = arith.index_cast %parallel_loop3A_154 : i32 to index
        %parallel_loop3A_163 = arith.constant 0 : index
        %parallel_loop3A_164 = tpu.vector_load %arg6[%parallel_loop3A_162, %parallel_loop3A_163] {strides = array<i32>} : memref<256x128xf32, #tpu.memory_space<vmem>>, vector<1x16xf32>,
        %parallel_loop3A_165 = vector.shape_cast %parallel_loop3A_164 : vector<1x16xf32> to vector<16xf32>
        %parallel_loop3A_166 = vector.shape_cast %parallel_loop3A_161 : vector<16xf32> to vector<1x16xf32>
        tpu.vector_store %arg6[%parallel_loop3A_162, %parallel_loop3A_163], %parallel_loop3A_166 {strides = array<i32>} : memref<256x128xf32, #tpu.memory_space<vmem>>, vector<1x16xf32>,
        %parallel_loop3A_167 = arith.index_cast %parallel_loop3A_154 : i32 to index
        %parallel_loop3A_168 = arith.constant 16 : index
        %parallel_loop3A_169 = tpu.vector_load %arg6[%parallel_loop3A_167, %parallel_loop3A_168] {strides = array<i32>} : memref<256x128xf32, #tpu.memory_space<vmem>>, vector<1x16xf32>,
        %parallel_loop3A_170 = vector.shape_cast %parallel_loop3A_169 : vector<1x16xf32> to vector<16xf32>
        %parallel_loop3A_171 = arith.constant 8.000000e+00 : f32
        %parallel_loop3A_172 = vector.broadcast %parallel_loop3A_171 : f32 to vector<16xf32>
        %parallel_loop3A_173 = arith.mulf %parallel_loop3A_170, %parallel_loop3A_172 : vector<16xf32>
        %parallel_loop3A_174 = arith.index_cast %parallel_loop3A_154 : i32 to index
        %parallel_loop3A_175 = arith.constant 16 : index
        %parallel_loop3A_176 = tpu.vector_load %arg6[%parallel_loop3A_174, %parallel_loop3A_175] {strides = array<i32>} : memref<256x128xf32, #tpu.memory_space<vmem>>, vector<1x16xf32>,
        %parallel_loop3A_177 = vector.shape_cast %parallel_loop3A_176 : vector<1x16xf32> to vector<16xf32>
        %parallel_loop3A_178 = vector.shape_cast %parallel_loop3A_173 : vector<16xf32> to vector<1x16xf32>
        tpu.vector_store %arg6[%parallel_loop3A_174, %parallel_loop3A_175], %parallel_loop3A_178 {strides = array<i32>} : memref<256x128xf32, #tpu.memory_space<vmem>>, vector<1x16xf32>,
        %parallel_loop3A_179 = arith.index_cast %parallel_loop3A_154 : i32 to index
        %parallel_loop3A_180 = arith.constant 32 : index
        %parallel_loop3A_181 = tpu.vector_load %arg6[%parallel_loop3A_179, %parallel_loop3A_180] {strides = array<i32>} : memref<256x128xf32, #tpu.memory_space<vmem>>, vector<1x16xf32>,
        %parallel_loop3A_182 = vector.shape_cast %parallel_loop3A_181 : vector<1x16xf32> to vector<16xf32>
        %parallel_loop3A_183 = arith.constant 8.000000e+00 : f32
        %parallel_loop3A_184 = vector.broadcast %parallel_loop3A_183 : f32 to vector<16xf32>
        %parallel_loop3A_185 = arith.mulf %parallel_loop3A_182, %parallel_loop3A_184 : vector<16xf32>
        %parallel_loop3A_186 = arith.index_cast %parallel_loop3A_154 : i32 to index
        %parallel_loop3A_187 = arith.constant 32 : index
        %parallel_loop3A_188 = tpu.vector_load %arg6[%parallel_loop3A_186, %parallel_loop3A_187] {strides = array<i32>} : memref<256x128xf32, #tpu.memory_space<vmem>>, vector<1x16xf32>,
        %parallel_loop3A_189 = vector.shape_cast %parallel_loop3A_188 : vector<1x16xf32> to vector<16xf32>
        %parallel_loop3A_190 = vector.shape_cast %parallel_loop3A_185 : vector<16xf32> to vector<1x16xf32>
        tpu.vector_store %arg6[%parallel_loop3A_186, %parallel_loop3A_187], %parallel_loop3A_190 {strides = array<i32>} : memref<256x128xf32, #tpu.memory_space<vmem>>, vector<1x16xf32>,
        %parallel_loop3A_191 = arith.index_cast %parallel_loop3A_154 : i32 to index
        %parallel_loop3A_192 = arith.constant 48 : index
        %parallel_loop3A_193 = tpu.vector_load %arg6[%parallel_loop3A_191, %parallel_loop3A_192] {strides = array<i32>} : memref<256x128xf32, #tpu.memory_space<vmem>>, vector<1x16xf32>,
        %parallel_loop3A_194 = vector.shape_cast %parallel_loop3A_193 : vector<1x16xf32> to vector<16xf32>
        %parallel_loop3A_195 = arith.constant 8.000000e+00 : f32
        %parallel_loop3A_196 = vector.broadcast %parallel_loop3A_195 : f32 to vector<16xf32>
        %parallel_loop3A_197 = arith.mulf %parallel_loop3A_194, %parallel_loop3A_196 : vector<16xf32>
        %parallel_loop3A_198 = arith.index_cast %parallel_loop3A_154 : i32 to index
        %parallel_loop3A_199 = arith.constant 48 : index
        %parallel_loop3A_200 = tpu.vector_load %arg6[%parallel_loop3A_198, %parallel_loop3A_199] {strides = array<i32>} : memref<256x128xf32, #tpu.memory_space<vmem>>, vector<1x16xf32>,
        %parallel_loop3A_201 = vector.shape_cast %parallel_loop3A_200 : vector<1x16xf32> to vector<16xf32>
        %parallel_loop3A_202 = vector.shape_cast %parallel_loop3A_197 : vector<16xf32> to vector<1x16xf32>
        tpu.vector_store %arg6[%parallel_loop3A_198, %parallel_loop3A_199], %parallel_loop3A_202 {strides = array<i32>} : memref<256x128xf32, #tpu.memory_space<vmem>>, vector<1x16xf32>,
      } {sc.loop_unroll_factor = 8 : i64, sc.parallel_access}
      %mul3A_109 = arith.constant 256 : i32
      %mul3A_110 = arith.muli %mul3A_71, %mul3A_109 : i32
      %add3A_111 = arith.addi %mul3A_4, %mul3A_110 : i32
      "tpu.region"() ({
        %run_scoped3A = tpu.sem_alloc : memref<!tpu.dma_semaphore, #tpu.memory_space<semaphore_mem>>
        %dma_start3A_154 = arith.constant 0 : i32
        %dma_start3A_155 = tpu.memref_slice %arg4[%add3A_111, %dma_start3A_154] : memref<819200x128xf32, #tpu.memory_space<hbm>> -> memref<256x128xf32, #tpu.memory_space<hbm>>
        %dma_start3A_156 = arith.constant 0 : i32
        %dma_start3A_157 = tpu.memref_slice %arg4[%add3A_111, %dma_start3A_156] : memref<819200x128xf32, #tpu.memory_space<hbm>> -> memref<256x128xf32, #tpu.memory_space<hbm>>
        tpu.enqueue_dma source(%arg6 : memref<256x128xf32, #tpu.memory_space<vmem>>) target(%dma_start3A_157 : memref<256x128xf32, #tpu.memory_space<hbm>>) target_semaphore(%run_scoped3A : memref<!tpu.dma_semaphore, #tpu.memory_space<semaphore_mem>>)
        %dma_wait3A_158 = arith.constant 0 : i32
        %dma_wait3A_159 = tpu.memref_slice %arg4[%add3A_111, %dma_wait3A_158] : memref<819200x128xf32, #tpu.memory_space<hbm>> -> memref<256x128xf32, #tpu.memory_space<hbm>>
        %dma_wait3A_160 = arith.constant 0 : i32
        %dma_wait3A_161 = tpu.memref_slice %arg4[%add3A_111, %dma_wait3A_160] : memref<819200x128xf32, #tpu.memory_space<hbm>> -> memref<256x128xf32, #tpu.memory_space<hbm>>
        tpu.wait_dma2 semaphore(%run_scoped3A : memref<!tpu.dma_semaphore, #tpu.memory_space<semaphore_mem>>) src(%arg6 : memref<256x128xf32, #tpu.memory_space<vmem>>) dst(%dma_wait3A_161 : memref<256x128xf32, #tpu.memory_space<hbm>>)
        tpu.yield
      }) : () -> ()
      %add3A_112 = arith.constant 2 : i32
      %add3A_113 = arith.addi %mul3A_71, %add3A_112 : i32
      %mul3A_114 = arith.constant 2 : i32
      %mul3A_115 = arith.muli %add3A_113, %mul3A_114 : i32
      %add3A_116 = arith.constant 0 : i32
      %add3A_117 = arith.addi %mul3A_115, %add3A_116 : i32
      %dma_start3A_118 = arith.constant 0 : i32
      %dma_start3A_119 = arith.constant 0 : i32
      %dma_start3A_120 = tpu.memref_slice %arg6[%dma_start3A_118, %dma_start3A_119] : memref<256x128xf32, #tpu.memory_space<vmem>> -> memref<128x128xf32, #tpu.memory_space<vmem>>
      %dma_start3A_121 = arith.constant 0 : i32
      %dma_start3A_122 = tpu.memref_slice %arg5[%add3A_117, %dma_start3A_121] : memref<200x128xi32, #tpu.memory_space<vmem>> -> memref<1x128xi32, #tpu.memory_space<vmem>>
      %dma_start3A_123 = tpu.memref_squeeze %dma_start3A_122 : memref<1x128xi32, #tpu.memory_space<vmem>> -> memref<128xi32, #tpu.memory_space<vmem>>
      %dma_start3A_124 = arith.constant 0 : i32
      %dma_start3A_125 = arith.constant 0 : i32
      %dma_start3A_126 = tpu.memref_slice %arg2[%dma_start3A_124, %dma_start3A_125] : memref<1000000x128xf32, #tpu.memory_space<hbm>> -> memref<1000000x128xf32, #tpu.memory_space<hbm>>
      tpu.enqueue_indirect_dma source(%dma_start3A_126 : memref<1000000x128xf32, #tpu.memory_space<hbm>>) target(%dma_start3A_120 : memref<128x128xf32, #tpu.memory_space<vmem>>) offsets(%dma_start3A_123 : memref<128xi32, #tpu.memory_space<vmem>>) semaphore(%arg8 : memref<!tpu.dma_semaphore, #tpu.memory_space<semaphore_mem>>)
      %mul3A_127 = arith.constant 2 : i32
      %mul3A_128 = arith.muli %add3A_113, %mul3A_127 : i32
      %add3A_129 = arith.constant 1 : i32
      %add3A_130 = arith.addi %mul3A_128, %add3A_129 : i32
      %dma_start3A_131 = arith.constant 128 : i32
      %dma_start3A_132 = arith.constant 0 : i32
      %dma_start3A_133 = tpu.memref_slice %arg6[%dma_start3A_131, %dma_start3A_132] : memref<256x128xf32, #tpu.memory_space<vmem>> -> memref<128x128xf32, #tpu.memory_space<vmem>>
      %dma_start3A_134 = arith.constant 0 : i32
      %dma_start3A_135 = tpu.memref_slice %arg5[%add3A_130, %dma_start3A_134] : memref<200x128xi32, #tpu.memory_space<vmem>> -> memref<1x128xi32, #tpu.memory_space<vmem>>
      %dma_start3A_136 = tpu.memref_squeeze %dma_start3A_135 : memref<1x128xi32, #tpu.memory_space<vmem>> -> memref<128xi32, #tpu.memory_space<vmem>>
      %dma_start3A_137 = arith.constant 0 : i32
      %dma_start3A_138 = arith.constant 0 : i32
      %dma_start3A_139 = tpu.memref_slice %arg2[%dma_start3A_137, %dma_start3A_138] : memref<1000000x128xf32, #tpu.memory_space<hbm>> -> memref<1000000x128xf32, #tpu.memory_space<hbm>>
      tpu.enqueue_indirect_dma source(%dma_start3A_139 : memref<1000000x128xf32, #tpu.memory_space<hbm>>) target(%dma_start3A_133 : memref<128x128xf32, #tpu.memory_space<vmem>>) offsets(%dma_start3A_136 : memref<128xi32, #tpu.memory_space<vmem>>) semaphore(%arg8 : memref<!tpu.dma_semaphore, #tpu.memory_space<semaphore_mem>>)
      %dma_wait3A_140 = arith.constant 0 : i32
      %dma_wait3A_141 = arith.constant 0 : i32
      %dma_wait3A_142 = tpu.memref_slice %arg2[%dma_wait3A_140, %dma_wait3A_141] : memref<1000000x128xf32, #tpu.memory_space<hbm>> -> memref<256x128xf32, #tpu.memory_space<hbm>>
      %dma_wait3A_143 = arith.constant 0 : i32
      %dma_wait3A_144 = arith.constant 0 : i32
      %dma_wait3A_145 = tpu.memref_slice %arg2[%dma_wait3A_143, %dma_wait3A_144] : memref<1000000x128xf32, #tpu.memory_space<hbm>> -> memref<256x128xf32, #tpu.memory_space<hbm>>
      tpu.wait_dma2 semaphore(%arg9 : memref<!tpu.dma_semaphore, #tpu.memory_space<semaphore_mem>>) src(%dma_wait3A_145 : memref<256x128xf32, #tpu.memory_space<hbm>>) dst(%arg7 : memref<256x128xf32, #tpu.memory_space<vmem>>)
      %parallel_loop3A_146 = arith.constant 0 : i32
      %parallel_loop3A_147 = arith.constant 256 : i32
      %parallel_loop3A_148 = arith.constant 1 : i32
      scf.for %parallel_loop3A_154 = %parallel_loop3A_146 to %parallel_loop3A_147 step %parallel_loop3A_148  : i32 {
        %parallel_loop3A_155 = arith.index_cast %parallel_loop3A_154 : i32 to index
        %parallel_loop3A_156 = arith.constant 0 : index
        %parallel_loop3A_157 = tpu.vector_load %arg7[%parallel_loop3A_155, %parallel_loop3A_156] {strides = array<i32>} : memref<256x128xf32, #tpu.memory_space<vmem>>, vector<1x16xf32>,
        %parallel_loop3A_158 = vector.shape_cast %parallel_loop3A_157 : vector<1x16xf32> to vector<16xf32>
        %parallel_loop3A_159 = arith.constant 8.000000e+00 : f32
        %parallel_loop3A_160 = vector.broadcast %parallel_loop3A_159 : f32 to vector<16xf32>
        %parallel_loop3A_161 = arith.mulf %parallel_loop3A_158, %parallel_loop3A_160 : vector<16xf32>
        %parallel_loop3A_162 = arith.index_cast %parallel_loop3A_154 : i32 to index
        %parallel_loop3A_163 = arith.constant 0 : index
        %parallel_loop3A_164 = tpu.vector_load %arg7[%parallel_loop3A_162, %parallel_loop3A_163] {strides = array<i32>} : memref<256x128xf32, #tpu.memory_space<vmem>>, vector<1x16xf32>,
        %parallel_loop3A_165 = vector.shape_cast %parallel_loop3A_164 : vector<1x16xf32> to vector<16xf32>
        %parallel_loop3A_166 = vector.shape_cast %parallel_loop3A_161 : vector<16xf32> to vector<1x16xf32>
        tpu.vector_store %arg7[%parallel_loop3A_162, %parallel_loop3A_163], %parallel_loop3A_166 {strides = array<i32>} : memref<256x128xf32, #tpu.memory_space<vmem>>, vector<1x16xf32>,
        %parallel_loop3A_167 = arith.index_cast %parallel_loop3A_154 : i32 to index
        %parallel_loop3A_168 = arith.constant 16 : index
        %parallel_loop3A_169 = tpu.vector_load %arg7[%parallel_loop3A_167, %parallel_loop3A_168] {strides = array<i32>} : memref<256x128xf32, #tpu.memory_space<vmem>>, vector<1x16xf32>,
        %parallel_loop3A_170 = vector.shape_cast %parallel_loop3A_169 : vector<1x16xf32> to vector<16xf32>
        %parallel_loop3A_171 = arith.constant 8.000000e+00 : f32
        %parallel_loop3A_172 = vector.broadcast %parallel_loop3A_171 : f32 to vector<16xf32>
        %parallel_loop3A_173 = arith.mulf %parallel_loop3A_170, %parallel_loop3A_172 : vector<16xf32>
        %parallel_loop3A_174 = arith.index_cast %parallel_loop3A_154 : i32 to index
        %parallel_loop3A_175 = arith.constant 16 : index
        %parallel_loop3A_176 = tpu.vector_load %arg7[%parallel_loop3A_174, %parallel_loop3A_175] {strides = array<i32>} : memref<256x128xf32, #tpu.memory_space<vmem>>, vector<1x16xf32>,
        %parallel_loop3A_177 = vector.shape_cast %parallel_loop3A_176 : vector<1x16xf32> to vector<16xf32>
        %parallel_loop3A_178 = vector.shape_cast %parallel_loop3A_173 : vector<16xf32> to vector<1x16xf32>
        tpu.vector_store %arg7[%parallel_loop3A_174, %parallel_loop3A_175], %parallel_loop3A_178 {strides = array<i32>} : memref<256x128xf32, #tpu.memory_space<vmem>>, vector<1x16xf32>,
        %parallel_loop3A_179 = arith.index_cast %parallel_loop3A_154 : i32 to index
        %parallel_loop3A_180 = arith.constant 32 : index
        %parallel_loop3A_181 = tpu.vector_load %arg7[%parallel_loop3A_179, %parallel_loop3A_180] {strides = array<i32>} : memref<256x128xf32, #tpu.memory_space<vmem>>, vector<1x16xf32>,
        %parallel_loop3A_182 = vector.shape_cast %parallel_loop3A_181 : vector<1x16xf32> to vector<16xf32>
        %parallel_loop3A_183 = arith.constant 8.000000e+00 : f32
        %parallel_loop3A_184 = vector.broadcast %parallel_loop3A_183 : f32 to vector<16xf32>
        %parallel_loop3A_185 = arith.mulf %parallel_loop3A_182, %parallel_loop3A_184 : vector<16xf32>
        %parallel_loop3A_186 = arith.index_cast %parallel_loop3A_154 : i32 to index
        %parallel_loop3A_187 = arith.constant 32 : index
        %parallel_loop3A_188 = tpu.vector_load %arg7[%parallel_loop3A_186, %parallel_loop3A_187] {strides = array<i32>} : memref<256x128xf32, #tpu.memory_space<vmem>>, vector<1x16xf32>,
        %parallel_loop3A_189 = vector.shape_cast %parallel_loop3A_188 : vector<1x16xf32> to vector<16xf32>
        %parallel_loop3A_190 = vector.shape_cast %parallel_loop3A_185 : vector<16xf32> to vector<1x16xf32>
        tpu.vector_store %arg7[%parallel_loop3A_186, %parallel_loop3A_187], %parallel_loop3A_190 {strides = array<i32>} : memref<256x128xf32, #tpu.memory_space<vmem>>, vector<1x16xf32>,
        %parallel_loop3A_191 = arith.index_cast %parallel_loop3A_154 : i32 to index
        %parallel_loop3A_192 = arith.constant 48 : index
        %parallel_loop3A_193 = tpu.vector_load %arg7[%parallel_loop3A_191, %parallel_loop3A_192] {strides = array<i32>} : memref<256x128xf32, #tpu.memory_space<vmem>>, vector<1x16xf32>,
        %parallel_loop3A_194 = vector.shape_cast %parallel_loop3A_193 : vector<1x16xf32> to vector<16xf32>
        %parallel_loop3A_195 = arith.constant 8.000000e+00 : f32
        %parallel_loop3A_196 = vector.broadcast %parallel_loop3A_195 : f32 to vector<16xf32>
        %parallel_loop3A_197 = arith.mulf %parallel_loop3A_194, %parallel_loop3A_196 : vector<16xf32>
        %parallel_loop3A_198 = arith.index_cast %parallel_loop3A_154 : i32 to index
        %parallel_loop3A_199 = arith.constant 48 : index
        %parallel_loop3A_200 = tpu.vector_load %arg7[%parallel_loop3A_198, %parallel_loop3A_199] {strides = array<i32>} : memref<256x128xf32, #tpu.memory_space<vmem>>, vector<1x16xf32>,
        %parallel_loop3A_201 = vector.shape_cast %parallel_loop3A_200 : vector<1x16xf32> to vector<16xf32>
        %parallel_loop3A_202 = vector.shape_cast %parallel_loop3A_197 : vector<16xf32> to vector<1x16xf32>
        tpu.vector_store %arg7[%parallel_loop3A_198, %parallel_loop3A_199], %parallel_loop3A_202 {strides = array<i32>} : memref<256x128xf32, #tpu.memory_space<vmem>>, vector<1x16xf32>,
      } {sc.loop_unroll_factor = 8 : i64, sc.parallel_access}
      %add3A_149 = arith.constant 1 : i32
      %add3A_150 = arith.addi %mul3A_71, %add3A_149 : i32
      %mul3A_151 = arith.constant 256 : i32
      %mul3A_152 = arith.muli %add3A_150, %mul3A_151 : i32
      %add3A_153 = arith.addi %mul3A_4, %mul3A_152 : i32
      "tpu.region"() ({
        %run_scoped3A = tpu.sem_alloc : memref<!tpu.dma_semaphore, #tpu.memory_space<semaphore_mem>>
        %dma_start3A_154 = arith.constant 0 : i32
        %dma_start3A_155 = tpu.memref_slice %arg4[%add3A_153, %dma_start3A_154] : memref<819200x128xf32, #tpu.memory_space<hbm>> -> memref<256x128xf32, #tpu.memory_space<hbm>>
        %dma_start3A_156 = arith.constant 0 : i32
        %dma_start3A_157 = tpu.memref_slice %arg4[%add3A_153, %dma_start3A_156] : memref<819200x128xf32, #tpu.memory_space<hbm>> -> memref<256x128xf32, #tpu.memory_space<hbm>>
        tpu.enqueue_dma source(%arg7 : memref<256x128xf32, #tpu.memory_space<vmem>>) target(%dma_start3A_157 : memref<256x128xf32, #tpu.memory_space<hbm>>) target_semaphore(%run_scoped3A : memref<!tpu.dma_semaphore, #tpu.memory_space<semaphore_mem>>)
        %dma_wait3A_158 = arith.constant 0 : i32
        %dma_wait3A_159 = tpu.memref_slice %arg4[%add3A_153, %dma_wait3A_158] : memref<819200x128xf32, #tpu.memory_space<hbm>> -> memref<256x128xf32, #tpu.memory_space<hbm>>
        %dma_wait3A_160 = arith.constant 0 : i32
        %dma_wait3A_161 = tpu.memref_slice %arg4[%add3A_153, %dma_wait3A_160] : memref<819200x128xf32, #tpu.memory_space<hbm>> -> memref<256x128xf32, #tpu.memory_space<hbm>>
        tpu.wait_dma2 semaphore(%run_scoped3A : memref<!tpu.dma_semaphore, #tpu.memory_space<semaphore_mem>>) src(%arg7 : memref<256x128xf32, #tpu.memory_space<vmem>>) dst(%dma_wait3A_161 : memref<256x128xf32, #tpu.memory_space<hbm>>)
        tpu.yield
      }) : () -> ()
    }
    %scan3A_28 = arith.constant 49 : i32
    %dma_start3A_29 = arith.constant 198 : i32
    %dma_start3A_30 = arith.constant 0 : i32
    %dma_start3A_31 = arith.constant 0 : i32
    %dma_start3A_32 = tpu.memref_slice %arg7[%dma_start3A_30, %dma_start3A_31] : memref<256x128xf32, #tpu.memory_space<vmem>> -> memref<128x128xf32, #tpu.memory_space<vmem>>
    %dma_start3A_33 = arith.constant 0 : i32
    %dma_start3A_34 = tpu.memref_slice %arg5[%dma_start3A_29, %dma_start3A_33] : memref<200x128xi32, #tpu.memory_space<vmem>> -> memref<1x128xi32, #tpu.memory_space<vmem>>
    %dma_start3A_35 = tpu.memref_squeeze %dma_start3A_34 : memref<1x128xi32, #tpu.memory_space<vmem>> -> memref<128xi32, #tpu.memory_space<vmem>>
    %dma_start3A_36 = arith.constant 0 : i32
    %dma_start3A_37 = arith.constant 0 : i32
    %dma_start3A_38 = tpu.memref_slice %arg2[%dma_start3A_36, %dma_start3A_37] : memref<1000000x128xf32, #tpu.memory_space<hbm>> -> memref<1000000x128xf32, #tpu.memory_space<hbm>>
    tpu.enqueue_indirect_dma source(%dma_start3A_38 : memref<1000000x128xf32, #tpu.memory_space<hbm>>) target(%dma_start3A_32 : memref<128x128xf32, #tpu.memory_space<vmem>>) offsets(%dma_start3A_35 : memref<128xi32, #tpu.memory_space<vmem>>) semaphore(%arg9 : memref<!tpu.dma_semaphore, #tpu.memory_space<semaphore_mem>>)
    %dma_start3A_39 = arith.constant 199 : i32
    %dma_start3A_40 = arith.constant 128 : i32
    %dma_start3A_41 = arith.constant 0 : i32
    %dma_start3A_42 = tpu.memref_slice %arg7[%dma_start3A_40, %dma_start3A_41] : memref<256x128xf32, #tpu.memory_space<vmem>> -> memref<128x128xf32, #tpu.memory_space<vmem>>
    %dma_start3A_43 = arith.constant 0 : i32
    %dma_start3A_44 = tpu.memref_slice %arg5[%dma_start3A_39, %dma_start3A_43] : memref<200x128xi32, #tpu.memory_space<vmem>> -> memref<1x128xi32, #tpu.memory_space<vmem>>
    %dma_start3A_45 = tpu.memref_squeeze %dma_start3A_44 : memref<1x128xi32, #tpu.memory_space<vmem>> -> memref<128xi32, #tpu.memory_space<vmem>>
    %dma_start3A_46 = arith.constant 0 : i32
    %dma_start3A_47 = arith.constant 0 : i32
    %dma_start3A_48 = tpu.memref_slice %arg2[%dma_start3A_46, %dma_start3A_47] : memref<1000000x128xf32, #tpu.memory_space<hbm>> -> memref<1000000x128xf32, #tpu.memory_space<hbm>>
    tpu.enqueue_indirect_dma source(%dma_start3A_48 : memref<1000000x128xf32, #tpu.memory_space<hbm>>) target(%dma_start3A_42 : memref<128x128xf32, #tpu.memory_space<vmem>>) offsets(%dma_start3A_45 : memref<128xi32, #tpu.memory_space<vmem>>) semaphore(%arg9 : memref<!tpu.dma_semaphore, #tpu.memory_space<semaphore_mem>>)
    %dma_wait3A = arith.constant 0 : i32
    %dma_wait3A_49 = arith.constant 0 : i32
    %dma_wait3A_50 = tpu.memref_slice %arg2[%dma_wait3A, %dma_wait3A_49] : memref<1000000x128xf32, #tpu.memory_space<hbm>> -> memref<256x128xf32, #tpu.memory_space<hbm>>
    %dma_wait3A_51 = arith.constant 0 : i32
    %dma_wait3A_52 = arith.constant 0 : i32
    %dma_wait3A_53 = tpu.memref_slice %arg2[%dma_wait3A_51, %dma_wait3A_52] : memref<1000000x128xf32, #tpu.memory_space<hbm>> -> memref<256x128xf32, #tpu.memory_space<hbm>>
    tpu.wait_dma2 semaphore(%arg8 : memref<!tpu.dma_semaphore, #tpu.memory_space<semaphore_mem>>) src(%dma_wait3A_53 : memref<256x128xf32, #tpu.memory_space<hbm>>) dst(%arg6 : memref<256x128xf32, #tpu.memory_space<vmem>>)
    %parallel_loop3A = arith.constant 0 : i32
    %parallel_loop3A_54 = arith.constant 256 : i32
    %parallel_loop3A_55 = arith.constant 1 : i32
    scf.for %parallel_loop3A_69 = %parallel_loop3A to %parallel_loop3A_54 step %parallel_loop3A_55  : i32 {
      %parallel_loop3A_70 = arith.index_cast %parallel_loop3A_69 : i32 to index
      %parallel_loop3A_71 = arith.constant 0 : index
      %parallel_loop3A_72 = tpu.vector_load %arg6[%parallel_loop3A_70, %parallel_loop3A_71] {strides = array<i32>} : memref<256x128xf32, #tpu.memory_space<vmem>>, vector<1x16xf32>,
      %parallel_loop3A_73 = vector.shape_cast %parallel_loop3A_72 : vector<1x16xf32> to vector<16xf32>
      %parallel_loop3A_74 = arith.constant 8.000000e+00 : f32
      %parallel_loop3A_75 = vector.broadcast %parallel_loop3A_74 : f32 to vector<16xf32>
      %parallel_loop3A_76 = arith.mulf %parallel_loop3A_73, %parallel_loop3A_75 : vector<16xf32>
      %parallel_loop3A_77 = arith.index_cast %parallel_loop3A_69 : i32 to index
      %parallel_loop3A_78 = arith.constant 0 : index
      %parallel_loop3A_79 = tpu.vector_load %arg6[%parallel_loop3A_77, %parallel_loop3A_78] {strides = array<i32>} : memref<256x128xf32, #tpu.memory_space<vmem>>, vector<1x16xf32>,
      %parallel_loop3A_80 = vector.shape_cast %parallel_loop3A_79 : vector<1x16xf32> to vector<16xf32>
      %parallel_loop3A_81 = vector.shape_cast %parallel_loop3A_76 : vector<16xf32> to vector<1x16xf32>
      tpu.vector_store %arg6[%parallel_loop3A_77, %parallel_loop3A_78], %parallel_loop3A_81 {strides = array<i32>} : memref<256x128xf32, #tpu.memory_space<vmem>>, vector<1x16xf32>,
      %parallel_loop3A_82 = arith.index_cast %parallel_loop3A_69 : i32 to index
      %parallel_loop3A_83 = arith.constant 16 : index
      %parallel_loop3A_84 = tpu.vector_load %arg6[%parallel_loop3A_82, %parallel_loop3A_83] {strides = array<i32>} : memref<256x128xf32, #tpu.memory_space<vmem>>, vector<1x16xf32>,
      %parallel_loop3A_85 = vector.shape_cast %parallel_loop3A_84 : vector<1x16xf32> to vector<16xf32>
      %parallel_loop3A_86 = arith.constant 8.000000e+00 : f32
      %parallel_loop3A_87 = vector.broadcast %parallel_loop3A_86 : f32 to vector<16xf32>
      %parallel_loop3A_88 = arith.mulf %parallel_loop3A_85, %parallel_loop3A_87 : vector<16xf32>
      %parallel_loop3A_89 = arith.index_cast %parallel_loop3A_69 : i32 to index
      %parallel_loop3A_90 = arith.constant 16 : index
      %parallel_loop3A_91 = tpu.vector_load %arg6[%parallel_loop3A_89, %parallel_loop3A_90] {strides = array<i32>} : memref<256x128xf32, #tpu.memory_space<vmem>>, vector<1x16xf32>,
      %parallel_loop3A_92 = vector.shape_cast %parallel_loop3A_91 : vector<1x16xf32> to vector<16xf32>
      %parallel_loop3A_93 = vector.shape_cast %parallel_loop3A_88 : vector<16xf32> to vector<1x16xf32>
      tpu.vector_store %arg6[%parallel_loop3A_89, %parallel_loop3A_90], %parallel_loop3A_93 {strides = array<i32>} : memref<256x128xf32, #tpu.memory_space<vmem>>, vector<1x16xf32>,
      %parallel_loop3A_94 = arith.index_cast %parallel_loop3A_69 : i32 to index
      %parallel_loop3A_95 = arith.constant 32 : index
      %parallel_loop3A_96 = tpu.vector_load %arg6[%parallel_loop3A_94, %parallel_loop3A_95] {strides = array<i32>} : memref<256x128xf32, #tpu.memory_space<vmem>>, vector<1x16xf32>,
      %parallel_loop3A_97 = vector.shape_cast %parallel_loop3A_96 : vector<1x16xf32> to vector<16xf32>
      %parallel_loop3A_98 = arith.constant 8.000000e+00 : f32
      %parallel_loop3A_99 = vector.broadcast %parallel_loop3A_98 : f32 to vector<16xf32>
      %parallel_loop3A_100 = arith.mulf %parallel_loop3A_97, %parallel_loop3A_99 : vector<16xf32>
      %parallel_loop3A_101 = arith.index_cast %parallel_loop3A_69 : i32 to index
      %parallel_loop3A_102 = arith.constant 32 : index
      %parallel_loop3A_103 = tpu.vector_load %arg6[%parallel_loop3A_101, %parallel_loop3A_102] {strides = array<i32>} : memref<256x128xf32, #tpu.memory_space<vmem>>, vector<1x16xf32>,
      %parallel_loop3A_104 = vector.shape_cast %parallel_loop3A_103 : vector<1x16xf32> to vector<16xf32>
      %parallel_loop3A_105 = vector.shape_cast %parallel_loop3A_100 : vector<16xf32> to vector<1x16xf32>
      tpu.vector_store %arg6[%parallel_loop3A_101, %parallel_loop3A_102], %parallel_loop3A_105 {strides = array<i32>} : memref<256x128xf32, #tpu.memory_space<vmem>>, vector<1x16xf32>,
      %parallel_loop3A_106 = arith.index_cast %parallel_loop3A_69 : i32 to index
      %parallel_loop3A_107 = arith.constant 48 : index
      %parallel_loop3A_108 = tpu.vector_load %arg6[%parallel_loop3A_106, %parallel_loop3A_107] {strides = array<i32>} : memref<256x128xf32, #tpu.memory_space<vmem>>, vector<1x16xf32>,
      %parallel_loop3A_109 = vector.shape_cast %parallel_loop3A_108 : vector<1x16xf32> to vector<16xf32>
      %parallel_loop3A_110 = arith.constant 8.000000e+00 : f32
      %parallel_loop3A_111 = vector.broadcast %parallel_loop3A_110 : f32 to vector<16xf32>
      %parallel_loop3A_112 = arith.mulf %parallel_loop3A_109, %parallel_loop3A_111 : vector<16xf32>
      %parallel_loop3A_113 = arith.index_cast %parallel_loop3A_69 : i32 to index
      %parallel_loop3A_114 = arith.constant 48 : index
      %parallel_loop3A_115 = tpu.vector_load %arg6[%parallel_loop3A_113, %parallel_loop3A_114] {strides = array<i32>} : memref<256x128xf32, #tpu.memory_space<vmem>>, vector<1x16xf32>,
      %parallel_loop3A_116 = vector.shape_cast %parallel_loop3A_115 : vector<1x16xf32> to vector<16xf32>
      %parallel_loop3A_117 = vector.shape_cast %parallel_loop3A_112 : vector<16xf32> to vector<1x16xf32>
      tpu.vector_store %arg6[%parallel_loop3A_113, %parallel_loop3A_114], %parallel_loop3A_117 {strides = array<i32>} : memref<256x128xf32, #tpu.memory_space<vmem>>, vector<1x16xf32>,
    } {sc.loop_unroll_factor = 8 : i64, sc.parallel_access}
    %add3A_56 = arith.constant 25088 : i32
    %add3A_57 = arith.addi %mul3A_4, %add3A_56 : i32
    "tpu.region"() ({
      %run_scoped3A = tpu.sem_alloc : memref<!tpu.dma_semaphore, #tpu.memory_space<semaphore_mem>>
      %dma_start3A_69 = arith.constant 0 : i32
      %dma_start3A_70 = tpu.memref_slice %arg4[%add3A_57, %dma_start3A_69] : memref<819200x128xf32, #tpu.memory_space<hbm>> -> memref<256x128xf32, #tpu.memory_space<hbm>>
      %dma_start3A_71 = arith.constant 0 : i32
      %dma_start3A_72 = tpu.memref_slice %arg4[%add3A_57, %dma_start3A_71] : memref<819200x128xf32, #tpu.memory_space<hbm>> -> memref<256x128xf32, #tpu.memory_space<hbm>>
      tpu.enqueue_dma source(%arg6 : memref<256x128xf32, #tpu.memory_space<vmem>>) target(%dma_start3A_72 : memref<256x128xf32, #tpu.memory_space<hbm>>) target_semaphore(%run_scoped3A : memref<!tpu.dma_semaphore, #tpu.memory_space<semaphore_mem>>)
      %dma_wait3A_73 = arith.constant 0 : i32
      %dma_wait3A_74 = tpu.memref_slice %arg4[%add3A_57, %dma_wait3A_73] : memref<819200x128xf32, #tpu.memory_space<hbm>> -> memref<256x128xf32, #tpu.memory_space<hbm>>
      %dma_wait3A_75 = arith.constant 0 : i32
      %dma_wait3A_76 = tpu.memref_slice %arg4[%add3A_57, %dma_wait3A_75] : memref<819200x128xf32, #tpu.memory_space<hbm>> -> memref<256x128xf32, #tpu.memory_space<hbm>>
      tpu.wait_dma2 semaphore(%run_scoped3A : memref<!tpu.dma_semaphore, #tpu.memory_space<semaphore_mem>>) src(%arg6 : memref<256x128xf32, #tpu.memory_space<vmem>>) dst(%dma_wait3A_76 : memref<256x128xf32, #tpu.memory_space<hbm>>)
      tpu.yield
    }) : () -> ()
    %dma_wait3A_58 = arith.constant 0 : i32
    %dma_wait3A_59 = arith.constant 0 : i32
    %dma_wait3A_60 = tpu.memref_slice %arg2[%dma_wait3A_58, %dma_wait3A_59] : memref<1000000x128xf32, #tpu.memory_space<hbm>> -> memref<256x128xf32, #tpu.memory_space<hbm>>
    %dma_wait3A_61 = arith.constant 0 : i32
    %dma_wait3A_62 = arith.constant 0 : i32
    %dma_wait3A_63 = tpu.memref_slice %arg2[%dma_wait3A_61, %dma_wait3A_62] : memref<1000000x128xf32, #tpu.memory_space<hbm>> -> memref<256x128xf32, #tpu.memory_space<hbm>>
    tpu.wait_dma2 semaphore(%arg9 : memref<!tpu.dma_semaphore, #tpu.memory_space<semaphore_mem>>) src(%dma_wait3A_63 : memref<256x128xf32, #tpu.memory_space<hbm>>) dst(%arg7 : memref<256x128xf32, #tpu.memory_space<vmem>>)
    %parallel_loop3A_64 = arith.constant 0 : i32
    %parallel_loop3A_65 = arith.constant 256 : i32
    %parallel_loop3A_66 = arith.constant 1 : i32
    scf.for %parallel_loop3A_69 = %parallel_loop3A_64 to %parallel_loop3A_65 step %parallel_loop3A_66  : i32 {
      %parallel_loop3A_70 = arith.index_cast %parallel_loop3A_69 : i32 to index
      %parallel_loop3A_71 = arith.constant 0 : index
      %parallel_loop3A_72 = tpu.vector_load %arg7[%parallel_loop3A_70, %parallel_loop3A_71] {strides = array<i32>} : memref<256x128xf32, #tpu.memory_space<vmem>>, vector<1x16xf32>,
      %parallel_loop3A_73 = vector.shape_cast %parallel_loop3A_72 : vector<1x16xf32> to vector<16xf32>
      %parallel_loop3A_74 = arith.constant 8.000000e+00 : f32
      %parallel_loop3A_75 = vector.broadcast %parallel_loop3A_74 : f32 to vector<16xf32>
      %parallel_loop3A_76 = arith.mulf %parallel_loop3A_73, %parallel_loop3A_75 : vector<16xf32>
      %parallel_loop3A_77 = arith.index_cast %parallel_loop3A_69 : i32 to index
      %parallel_loop3A_78 = arith.constant 0 : index
      %parallel_loop3A_79 = tpu.vector_load %arg7[%parallel_loop3A_77, %parallel_loop3A_78] {strides = array<i32>} : memref<256x128xf32, #tpu.memory_space<vmem>>, vector<1x16xf32>,
      %parallel_loop3A_80 = vector.shape_cast %parallel_loop3A_79 : vector<1x16xf32> to vector<16xf32>
      %parallel_loop3A_81 = vector.shape_cast %parallel_loop3A_76 : vector<16xf32> to vector<1x16xf32>
      tpu.vector_store %arg7[%parallel_loop3A_77, %parallel_loop3A_78], %parallel_loop3A_81 {strides = array<i32>} : memref<256x128xf32, #tpu.memory_space<vmem>>, vector<1x16xf32>,
      %parallel_loop3A_82 = arith.index_cast %parallel_loop3A_69 : i32 to index
      %parallel_loop3A_83 = arith.constant 16 : index
      %parallel_loop3A_84 = tpu.vector_load %arg7[%parallel_loop3A_82, %parallel_loop3A_83] {strides = array<i32>} : memref<256x128xf32, #tpu.memory_space<vmem>>, vector<1x16xf32>,
      %parallel_loop3A_85 = vector.shape_cast %parallel_loop3A_84 : vector<1x16xf32> to vector<16xf32>
      %parallel_loop3A_86 = arith.constant 8.000000e+00 : f32
      %parallel_loop3A_87 = vector.broadcast %parallel_loop3A_86 : f32 to vector<16xf32>
      %parallel_loop3A_88 = arith.mulf %parallel_loop3A_85, %parallel_loop3A_87 : vector<16xf32>
      %parallel_loop3A_89 = arith.index_cast %parallel_loop3A_69 : i32 to index
      %parallel_loop3A_90 = arith.constant 16 : index
      %parallel_loop3A_91 = tpu.vector_load %arg7[%parallel_loop3A_89, %parallel_loop3A_90] {strides = array<i32>} : memref<256x128xf32, #tpu.memory_space<vmem>>, vector<1x16xf32>,
      %parallel_loop3A_92 = vector.shape_cast %parallel_loop3A_91 : vector<1x16xf32> to vector<16xf32>
      %parallel_loop3A_93 = vector.shape_cast %parallel_loop3A_88 : vector<16xf32> to vector<1x16xf32>
      tpu.vector_store %arg7[%parallel_loop3A_89, %parallel_loop3A_90], %parallel_loop3A_93 {strides = array<i32>} : memref<256x128xf32, #tpu.memory_space<vmem>>, vector<1x16xf32>,
      %parallel_loop3A_94 = arith.index_cast %parallel_loop3A_69 : i32 to index
      %parallel_loop3A_95 = arith.constant 32 : index
      %parallel_loop3A_96 = tpu.vector_load %arg7[%parallel_loop3A_94, %parallel_loop3A_95] {strides = array<i32>} : memref<256x128xf32, #tpu.memory_space<vmem>>, vector<1x16xf32>,
      %parallel_loop3A_97 = vector.shape_cast %parallel_loop3A_96 : vector<1x16xf32> to vector<16xf32>
      %parallel_loop3A_98 = arith.constant 8.000000e+00 : f32
      %parallel_loop3A_99 = vector.broadcast %parallel_loop3A_98 : f32 to vector<16xf32>
      %parallel_loop3A_100 = arith.mulf %parallel_loop3A_97, %parallel_loop3A_99 : vector<16xf32>
      %parallel_loop3A_101 = arith.index_cast %parallel_loop3A_69 : i32 to index
      %parallel_loop3A_102 = arith.constant 32 : index
      %parallel_loop3A_103 = tpu.vector_load %arg7[%parallel_loop3A_101, %parallel_loop3A_102] {strides = array<i32>} : memref<256x128xf32, #tpu.memory_space<vmem>>, vector<1x16xf32>,
      %parallel_loop3A_104 = vector.shape_cast %parallel_loop3A_103 : vector<1x16xf32> to vector<16xf32>
      %parallel_loop3A_105 = vector.shape_cast %parallel_loop3A_100 : vector<16xf32> to vector<1x16xf32>
      tpu.vector_store %arg7[%parallel_loop3A_101, %parallel_loop3A_102], %parallel_loop3A_105 {strides = array<i32>} : memref<256x128xf32, #tpu.memory_space<vmem>>, vector<1x16xf32>,
      %parallel_loop3A_106 = arith.index_cast %parallel_loop3A_69 : i32 to index
      %parallel_loop3A_107 = arith.constant 48 : index
      %parallel_loop3A_108 = tpu.vector_load %arg7[%parallel_loop3A_106, %parallel_loop3A_107] {strides = array<i32>} : memref<256x128xf32, #tpu.memory_space<vmem>>, vector<1x16xf32>,
      %parallel_loop3A_109 = vector.shape_cast %parallel_loop3A_108 : vector<1x16xf32> to vector<16xf32>
      %parallel_loop3A_110 = arith.constant 8.000000e+00 : f32
      %parallel_loop3A_111 = vector.broadcast %parallel_loop3A_110 : f32 to vector<16xf32>
      %parallel_loop3A_112 = arith.mulf %parallel_loop3A_109, %parallel_loop3A_111 : vector<16xf32>
      %parallel_loop3A_113 = arith.index_cast %parallel_loop3A_69 : i32 to index
      %parallel_loop3A_114 = arith.constant 48 : index
      %parallel_loop3A_115 = tpu.vector_load %arg7[%parallel_loop3A_113, %parallel_loop3A_114] {strides = array<i32>} : memref<256x128xf32, #tpu.memory_space<vmem>>, vector<1x16xf32>,
      %parallel_loop3A_116 = vector.shape_cast %parallel_loop3A_115 : vector<1x16xf32> to vector<16xf32>
      %parallel_loop3A_117 = vector.shape_cast %parallel_loop3A_112 : vector<16xf32> to vector<1x16xf32>
      tpu.vector_store %arg7[%parallel_loop3A_113, %parallel_loop3A_114], %parallel_loop3A_117 {strides = array<i32>} : memref<256x128xf32, #tpu.memory_space<vmem>>, vector<1x16xf32>,
    } {sc.loop_unroll_factor = 8 : i64, sc.parallel_access}
    %add3A_67 = arith.constant 25344 : i32
    %add3A_68 = arith.addi %mul3A_4, %add3A_67 : i32
    "tpu.region"() ({
      %run_scoped3A = tpu.sem_alloc : memref<!tpu.dma_semaphore, #tpu.memory_space<semaphore_mem>>
      %dma_start3A_69 = arith.constant 0 : i32
      %dma_start3A_70 = tpu.memref_slice %arg4[%add3A_68, %dma_start3A_69] : memref<819200x128xf32, #tpu.memory_space<hbm>> -> memref<256x128xf32, #tpu.memory_space<hbm>>
      %dma_start3A_71 = arith.constant 0 : i32
      %dma_start3A_72 = tpu.memref_slice %arg4[%add3A_68, %dma_start3A_71] : memref<819200x128xf32, #tpu.memory_space<hbm>> -> memref<256x128xf32, #tpu.memory_space<hbm>>
      tpu.enqueue_dma source(%arg7 : memref<256x128xf32, #tpu.memory_space<vmem>>) target(%dma_start3A_72 : memref<256x128xf32, #tpu.memory_space<hbm>>) target_semaphore(%run_scoped3A : memref<!tpu.dma_semaphore, #tpu.memory_space<semaphore_mem>>)
      %dma_wait3A_73 = arith.constant 0 : i32
      %dma_wait3A_74 = tpu.memref_slice %arg4[%add3A_68, %dma_wait3A_73] : memref<819200x128xf32, #tpu.memory_space<hbm>> -> memref<256x128xf32, #tpu.memory_space<hbm>>
      %dma_wait3A_75 = arith.constant 0 : i32
      %dma_wait3A_76 = tpu.memref_slice %arg4[%add3A_68, %dma_wait3A_75] : memref<819200x128xf32, #tpu.memory_space<hbm>> -> memref<256x128xf32, #tpu.memory_space<hbm>>
      tpu.wait_dma2 semaphore(%run_scoped3A : memref<!tpu.dma_semaphore, #tpu.memory_space<semaphore_mem>>) src(%arg7 : memref<256x128xf32, #tpu.memory_space<vmem>>) dst(%dma_wait3A_76 : memref<256x128xf32, #tpu.memory_space<hbm>>)
      tpu.yield
    }) : () -> ()
    return
  }
}

</mosaic_0001>

<sc_bundles>
// kernel: kernel.3.cloned.1.call-start
scs
__scs_entry_jumppad:
0x0: {  	(pc) =	sbr.rel $0x88, $3  }
0x1: {  	(tag) =	ssettag $0x0;
	lr =	simm.s32 $0x1  }
0x2: {  	[smem:$0x3F9F] =	sst lr;
	_ =	strace $0xD0000000  }
0x3: {  	_ = 	snop  }
0x4: {  	_ = 	snop  }
0x5: {  	_ = 	snop  }
0x6: {  	_ = 	snop  }
0x7: {  	_ = 	snop  }
__scs_overlays_trampoline_lowered:
0x8: {  	[smem:$0x3FAE] =	sst s0  }
0x9: {  	[smem:$0x3FAF] =	sst s1  }
0xa: {  	[smem:$0x3FB0] =	sst s2  }
0xb: {  	[smem:$0x3FB1] =	sst s3  }
0xc: {  	[smem:$0x3FB2] =	sst s4  }
0xd: {  	[smem:$0x3FB3] =	sst s5  }
0xe: {  	[smem:$0x3FB4] =	sst s6  }
0xf: {  	[smem:$0x3FB5] =	sst s7  }
0x10: {  	[smem:$0x3FB6] =	sst s8  }
0x11: {  	[smem:$0x3FB7] =	sst s9;
	s0 =	simm.s32 @!p0 $0x0  }
0x12: {  	s1 =	sld [smem:$0x3F9D];
	s0 =	simm.s32 @p0 $0x1  }
0x13: {  	[smem:$0x3FB8] =	sst s0;
	s0 =	simm.s32 @!p1 $0x0  }
0x14: {  	s2 =	sld [smem:$0x3F9C];
	s0 =	simm.s32 @p1 $0x1  }
0x15: {  	[smem:$0x3FB9] =	sst s0;
	s0 =	simm.s32 @!p2 $0x0  }
0x16: {  	s3 =	sld [smem:$0x3FDB];
	s0 =	simm.s32 @p2 $0x1  }
0x17: {  	s4 =	simm.s32 $0x1BF5;
	[smem:$0x3FBB] =	sst s0  }
0x18: {  	s0 =	sld [smem:$0x3F9E];
	_ =	swait.ge [sflag:s4], $0x0  }
0x19: {  	s7 =	sld [smem:$0x3F9F]  }
0x1a: {  	s8 =	sadd.s32 $0xFFFFE003, lr  }
0x1b: {  	s9 =	sadd.s32 $0xFFFFFEF7, lr;
	s5 =	simm.s32 $0xFFFFFFFF;
	p2 =	slt.u32 s8, $0xFFFFF086  }
0x1c: {  	p1 =	slt.u32 s9, $0xF7A;
	s5 =	simm.s32 @!p2 $0x0  }
0x1d: {  	s5 =	simm.s32 @p1 $0x1;
	p0 =	seq.s32 s7, s2  }
0x1e: {  	s7 =	smul.u32 @!p0 $0xF7A, s2;
	p2 =	seq.s32 @!p0 s5, $0x0  }
0x1f: {  	s9 =	smul.u32 $0xF7A, s1;
	s8 =	simm.s32 @!p0 $0x1BF5;
	p2 =	por !p2, p0  }
0x20: {  	[sflag:s8] =	ssyncset.s32 @!p0 $0xFFFFF086;
	s6 =	sadd.s32 @!p0 s3, s7;
	s7 =	simm.s32 @!p0 $0x108  }
0x21: {  	s3 =	sadd.s32 s3, s9;
	s6 =	sadd.s32 @!p0 $0x88, s6;
	s7 =	simm.s32 @p2 $0x1082  }
0x22: {  	[simem:s7], [sflag:s8] =	dma.local @!p0 [hbm:s6], $0xF7A  }
0x23: {  	s9 =	sor.u32 $0xD0000000, s2;
	s6 =	simm.s32 $0x108;
	_ =	swait.ge @!p0 [sflag:s8], $0x0  }
0x24: {  	s3 =	sadd.s32 $0x88, s3;
	s6 =	simm.s32 @!p1 $0x1082;
	[sflag:s4] =	ssyncset.s32 $0xFFFFF086  }
0x25: {  	[simem:s6], [sflag:s4] =	dma.local [hbm:s3], $0xF7A  }
0x26: {  	[smem:$0x3F9F] =	sst s1;
	(tag) =	ssettag s2;
	_ =	strace s9  }
0x27: {  	s1 =	sld [smem:$0x3FAF]  }
0x28: {  	s2 =	sld [smem:$0x3FB0]  }
0x29: {  	s4 =	sld [smem:$0x3FB2]  }
0x2a: {  	p0 =	seq.s32 s5, $0x0;
	s5 =	sld [smem:$0x3FB3]  }
0x2b: {  	s6 =	sld [smem:$0x3FB4]  }
0x2c: {  	s7 =	sld [smem:$0x3FB5]  }
0x2d: {  	s3 =	simm.s32 $0x108;
	s8 =	sld [smem:$0x3FB6]  }
0x2e: {  	s3 =	simm.s32 @!p0 $0x1082;
	s9 =	sld [smem:$0x3FB7]  }
0x2f: {  	lr =	sadd.s32 s0, s3;
	s0 =	sld [smem:$0x3FAE]  }
0x30: {  	s3 =	sld [smem:$0x3FB1]  }
0x31: {  	[smem:$0x3FBA] =	sst s10  }
0x32: {  	s10 =	sld [smem:$0x3FB8];
	_ =	sdelay $0x3  }
0x33: {  	p0 =	seq.s32 s10, $0x1;
	s10 =	sld [smem:$0x3FBA];
	_ =	sdelay $0x3  }
0x34: {  	[smem:$0x3FBA] =	sst s10  }
0x35: {  	s10 =	sld [smem:$0x3FB9];
	_ =	sdelay $0x3  }
0x36: {  	p1 =	seq.s32 s10, $0x1;
	s10 =	sld [smem:$0x3FBA];
	_ =	sdelay $0x3  }
0x37: {  	[smem:$0x3FBA] =	sst s10  }
0x38: {  	s10 =	sld [smem:$0x3FBB]  }
0x39: {  	_ = 	snop;
	(pc) =	sbr.ind lr, $3  }
0x3a: {  	_ = 	snop  }
0x3b: {  	_ = 	snop  }
0x3c: {  	p2 =	seq.s32 s10, $0x1;
	s10 =	sld [smem:$0x3FBA]  }
0x3d: {  	_ =	shalt  }
0x3e: {  	_ =	shalt  }
0x3f: {  	_ =	shalt  }
0x40: {  	_ =	shalt  }
0x41: {  	_ =	shalt  }
0x42: {  	_ =	shalt  }
0x43: {  	_ =	shalt  }
0x44: {  	_ =	shalt  }
0x45: {  	_ =	shalt  }
0x46: {  	_ =	shalt  }
0x47: {  	_ =	shalt  }
0x48: {  	_ =	shalt  }
0x49: {  	_ =	shalt  }
0x4a: {  	_ =	shalt  }
0x4b: {  	_ =	shalt  }
0x4c: {  	_ =	shalt  }
0x4d: {  	_ =	shalt  }
0x4e: {  	_ =	shalt  }
0x4f: {  	_ =	shalt  }
0x50: {  	_ =	shalt  }
0x51: {  	_ =	shalt  }
0x52: {  	_ =	shalt  }
0x53: {  	_ =	shalt  }
0x54: {  	_ =	shalt  }
0x55: {  	_ =	shalt  }
0x56: {  	_ =	shalt  }
0x57: {  	_ =	shalt  }
0x58: {  	_ =	shalt  }
0x59: {  	_ =	shalt  }
0x5a: {  	_ =	shalt  }
0x5b: {  	_ =	shalt  }
0x5c: {  	_ =	shalt  }
0x5d: {  	_ =	shalt  }
0x5e: {  	_ =	shalt  }
0x5f: {  	_ =	shalt  }
0x60: {  	_ =	shalt  }
0x61: {  	_ =	shalt  }
0x62: {  	_ =	shalt  }
0x63: {  	_ =	shalt  }
0x64: {  	_ =	shalt  }
0x65: {  	_ =	shalt  }
0x66: {  	_ =	shalt  }
0x67: {  	_ =	shalt  }
0x68: {  	_ =	shalt  }
0x69: {  	_ =	shalt  }
0x6a: {  	_ =	shalt  }
0x6b: {  	_ =	shalt  }
0x6c: {  	_ =	shalt  }
0x6d: {  	_ =	shalt  }
0x6e: {  	_ =	shalt  }
0x6f: {  	_ =	shalt  }
0x70: {  	_ =	shalt  }
0x71: {  	_ =	shalt  }
0x72: {  	_ =	shalt  }
0x73: {  	_ =	shalt  }
0x74: {  	_ =	shalt  }
0x75: {  	_ =	shalt  }
0x76: {  	_ =	shalt  }
0x77: {  	_ =	shalt  }
0x78: {  	_ =	shalt  }
0x79: {  	_ =	shalt  }
0x7a: {  	_ =	shalt  }
0x7b: {  	_ =	shalt  }
0x7c: {  	_ =	shalt  }
0x7d: {  	_ =	shalt  }
0x7e: {  	_ =	shalt  }
0x7f: {  	_ =	shalt  }
0x80: {  	_ =	shalt  }
0x81: {  	_ =	shalt  }
0x82: {  	_ =	shalt  }
0x83: {  	_ =	shalt  }
0x84: {  	_ =	shalt  }
0x85: {  	_ =	shalt  }
0x86: {  	_ =	shalt  }
0x87: {  	_ =	shalt  }
.Lfunc_end0:
.L_simem_size_0:
called_computation.1_lowered:
.L_overlay_start_0:
0x88: {  	s2 =	sld [smem:$0x3FD9]  }
0x89: {  	s3 =	sld [smem:$0x3FFE];
	_ =	sdelay $0x1  }
0x8a: {  	s1 =	srdreg.scid  }
0x8b: {  	s0 =	sand.u32 $0x1, s1  }
0x8c: {  	s17 =	sshll.u32 s0, $0xA;
	s2 =	sadd.s32 s3, s2  }
0x8d: {  	s2 =	sadd.s32 s2, s17  }
0x8e: {  	[smem:$0x3FC6] =	sst s2  }
0x8f: {  	_ = 	snop  }
0x90: {  	s2 =	sld [smem:$0x3FD0];
	(tm) =	ssettm $0x1  }
0x91: {  	s18 =	sld [smem:$0x3FFB];
	_ =	sdelay $0x3  }
0x92: {  	_ =	strace s18  }
0x93: {  	s3 =	sld [smem:$0x3FFC];
	_ =	sdelay $0x3  }
0x94: {  	_ =	strace s3  }
0x95: {  	s3 =	sld [smem:$0x3FFD];
	_ =	sdelay $0x3  }
0x96: {  	_ =	strace s3  }
0x97: {  	_ =	strace $0x8FFFFFFF  }
0x98: {  	s19 =	sld [smem:$0x3FDB];
	_ =	sdelay $0x1  }
0x99: {  	s4 =	simm.s32 $_scs_section_size  }
0x9a: {  	s5 =	simm.s32 $_size__tile_overlayer_lowered;
	s6 =	simm.s32 $_tile_overlayer_lowered  }
0x9b: {  	s22 =	simm.s32 $0x1BFF;
	s21 =	sshll.u32 s6, $0x1;
	s3 =	sadd.s32 s4, s19  }
0x9c: {  	s7 =	simm.s32 $0x0;
	s20 =	sshll.u32 s5, $0x1;
	s5 =	sadd.s32 s21, s3  }
0x9d: {  	[timem:s7], [sflag:s22] =	dma.local [hbm:s5], s20  }
0x9e: {  	_ =	swait.ge [sflag:s22], s20  }
0x9f: {  	s4 =	ssub.s32 $0x0, s20;
	[sflag:s22] =	ssyncset.done $0x0  }
0xa0: {  	[sflag:s22] =	ssyncadd.s32 s4;
	_ =	sdelay $0x1  }
0xa1: {  	s23 =	simm.s32 $0x1B8B  }
0xa2: {  	_ =	swait.ge [sflag:s23], $0x1  }
0xa3: {  	[sflag:s23] =	ssyncset.done $0x0  }
0xa4: {  	s25 =	simm.s32 $0x1B8E;
	s24 =	sld [smem:$0x3FFE];
	[sflag:s23] =	ssyncadd.s32 $0xFFFFFFFF  }
0xa5: {  	s26 =	simm.s32 $execute0_lowered;
	[smem:$0x3FD2] =	sst s25  }
0xa6: {  	s5 =	sshll.u32 s26, $0x1;
	_ =	strace $0x80000046;
	[dreg:$0x1] =	wrdreg $0xFFFFFFFF  }
0xa7: {  	s28 =	simm.s32 $_size_execute0_lowered;
	s3 =	sadd.s32 s3, s5;
	[dreg:$0x0] =	wrdreg $0x0  }
0xa8: {  	s5 =	sshll.u32 s28, $0x1;
	[dreg:$0x2] =	wrdreg s3  }
0xa9: {  	[dreg:$0x3] =	wrdreg s5  }
0xaa: {  	[dreg:$0x4] =	wrdreg $0xC0  }
0xab: {  	_ =	task [dreg:s7], $0x5FFFF  }
0xac: {  	[dreg:$0x1] =	wrdreg $0xFFFFFFFF  }
0xad: {  	[dreg:$0x0] =	wrdreg $0x60  }
0xae: {  	[dreg:$0x2] =	wrdreg s24  }
0xaf: {  	[dreg:$0x3] =	wrdreg s2  }
0xb0: {  	[dreg:$0x4] =	wrdreg $0x9  }
0xb1: {  	_ =	task.clear_ibuf [dreg:s7], $0x5FFFF;
	_ =	strace $0x90000046  }
0xb2: {  	s29 =	simm.s32 $0x9;
	_ =	strace $0x80000048  }
0xb3: {  	_ =	swait.ge [sflag:s29], $0x1  }
0xb4: {  	[sflag:s29] =	ssyncadd.s32 $0xFFFFFFFF  }
0xb5: {  	_ =	strace $0x90000048  }
0xb6: {  	_ =	sfence  }
0xb7: {  	s30 =	sld [smem:$0x0];
	_ =	sdelay $0x2  }
0xb8: {  	s31 =	sshll.u32 s1, $0xD;
	s1 =	sshrl.u32 s1, $0x2  }
0xb9: {  	s3 =	sand.u32 $0x4000, s31;
	s1 =	sadd.s32 s1, s30  }
0xba: {  	s0 =	sor.u32 s3, s0;
	s1 =	sshll.u32 s1, $0x11  }
0xbb: {  	s0 =	sor.u32 s1, s0  }
0xbc: {  	s0 =	sadd.s32 $0x8F2B, s0  }
0xbd: {  	[sflag:s0] =	ssyncadd.remote.s32 $0x1  }
0xbe: {  	_ =	sfence.sel $0xFFFF  }
0xbf: {  	[dreg:$0x0] =	wrdreg $0xFFFFFFFF;
	(pc) =	sbr.abs _section_cstart, $3  }
0xc0: {  	[dreg:$0x1] =	wrdreg $0xFFFFFFFF  }
0xc1: {  	_ =	task.clear_ibuf [dreg:s7], $0x2FFFF;
	_ =	strace $0x9FFFFFFF  }
0xc2: {  	(tm) =	ssettm $0x7FFFFFFF  }
0xc3: {  	_ =	shalt  }
tec
execute0_lowered:
.L_overlay_start_1:
0x0: {  	(tag) =	ssettag $0x1  }
0x1: {  	s5 =	rddreg [dreg:$0x0];
	s1 =	srdreg.scid  }
0x2: {  	s0 =	stileid.u32;
	s6 =	rddreg [dreg:$0x1];
	s2 =	simm.s32 $0x0  }
0x3: {  	s11 =	simm.s32 $0x80;
	s12 =	simm.s32 $0x6400;
	s13 =	simm.s32 $0xA400  }
0x4: {  	s14 =	simm.s32 $0xE400;
	s15 =	simm.s32 $0x12400;
	s16 =	simm.s32 $0x1  }
0x5: {  	s17 =	simm.s32 $0x2;
	s18 =	simm.s32 $0x6300;
	s19 =	simm.s32 $0x6380  }
0x6: {  	s7 =	sand.u32 $0x1, s1;
	s3 =	sshll.u32 s0, $0x1;
	s1 =	rddreg [dreg:$0x2]  }
0x7: {  	s20 =	simm.s32 $0x0;
	[smem:$0x7FF] =	sst s2;
	s8 =	sor.u32 s7, s3  }
0x8: {  	s4 =	sadd.s32 $0xA00, s5;
	s7 =	ssub.s32 $0x2, s7;
	s3 =	smul.u32 $0x320000, s8  }
0x9: {  	s5 =	sadd.s32 $0xF42E00, s5;
	s9 =	sshrl.u32 s7, $0x1;
	s8 =	smul.u32 $0xC80, s8  }
0xa: {  	_ =	strace $0x80000047;
	s9 =	ssub.s32 s7, s9;
	s10 =	sshrl.u32 s3, $0x3  }
0xb: {  	s6 =	sadd.s32 s6, s8;
	s9 =	smax.u32 s9, $0x1;
	s10 =	sadd.s32 s4, s10  }
0xc: {  	s7 =	sadd.s32 $0x62000, s10;
	s8 =	sadd.s32 $0x63000, s10;
	s10 =	simm.s32 $0x3  }
.LBB2_1:
0xd: {  	[tilespmem:s2], [sflag:$0x3] =	stream.linear.gather [hbm4b:s6+s2], $0x6400, $0x38;
	[tilespmem:$0x16400] =	vst v63  }
0xe: {  	_ =	swait.ge [sflag:s10], $0x6400  }
0xf: {  	[sflag:s10] =	ssyncset.done $0x0  }
0x10: {  	[sflag:s10] =	ssyncadd.s32 $0xFFFF9C00  }
0x11: {  	[tilespmem:s12], [sflag:$0x1] =	stream.indirect.gather [hbm4b:s5+s11], $0x80, s2, s11, $0xb8;
	[tilespmem:$0x16400] =	vst v63  }
0x12: {  	s21 =	simm.s32 $0x0  }
0x13: {  	[tilespmem:s13], [sflag:$0x1] =	stream.indirect.gather [hbm4b:s5+s11], $0x80, s11, s11, $0xb8;
	[tilespmem:$0x16400] =	vst v63  }
.LBB2_2:
0x14: {  	s22 =	sshllo.u32 s21, $0x1  }
0x15: {  	s23 =	sshll.u32 s22, $0x8  }
0x16: {  	s23 =	sand.u32 $0x3FFFFF00, s23  }
0x17: {  	[tilespmem:s14], [sflag:$0x2] =	stream.indirect.gather [hbm4b:s5+s11], $0x80, s23, s11, $0xb8;
	[tilespmem:$0x16400] =	vst v63  }
0x18: {  	s23 =	sor.u32 $0x80, s23  }
0x19: {  	[tilespmem:s15], [sflag:$0x2] =	stream.indirect.gather [hbm4b:s5+s11], $0x80, s23, s11, $0xb8;
	[tilespmem:$0x16400] =	vst v63  }
0x1a: {  	_ =	swait.ge [sflag:s16], $0x8000  }
0x1b: {  	[sflag:s16] =	ssyncset.done $0x0  }
0x1c: {  	s23 =	simm.s32 $0x6600;
	[sflag:s16] =	ssyncadd.s32 $0xFFFF8000  }
0x1d: {  	v0 =	vld [tilespmem:s23+$0x1B0]  }
0x1e: {  	v1 =	vld [tilespmem:s23+$0xFFFFFE10]  }
0x1f: {  	v2 =	vld [tilespmem:s23+$0xFFFFFE20]  }
0x20: {  	v3 =	vld [tilespmem:s23+$0xFFFFFE30]  }
0x21: {  	v4 =	vld [tilespmem:s23+$0xFFFFFE80]  }
0x22: {  	v5 =	vld [tilespmem:s23+$0xFFFFFE90];
	v0 =	vmul.f32 $8.000000000e+00, v0  }
0x23: {  	v6 =	vld [tilespmem:s23+$0xFFFFFEA0];
	v1 =	vmul.f32 $8.000000000e+00, v1  }
0x24: {  	v7 =	vld [tilespmem:s23+$0xFFFFFEB0];
	v2 =	vmul.f32 $8.000000000e+00, v2;
	[tilespmem:s23+$0x1B0] =	vst v0  }
0x25: {  	[tilespmem:s23+$0xFFFFFE10] =	vst v1;
	v0 =	vmul.f32 $8.000000000e+00, v3;
	v1 =	vld [tilespmem:s23+$0xFFFFFF00]  }
0x26: {  	[tilespmem:s23+$0xFFFFFE20] =	vst v2;
	v2 =	vmul.f32 $8.000000000e+00, v4;
	v3 =	vld [tilespmem:s23+$0xFFFFFF10]  }
0x27: {  	v4 =	vld [tilespmem:s23+$0xFFFFFF20];
	[tilespmem:s23+$0xFFFFFE30] =	vst v0;
	v0 =	vmul.f32 $8.000000000e+00, v5  }
0x28: {  	[tilespmem:s23+$0xFFFFFE80] =	vst v2;
	v2 =	vmul.f32 $8.000000000e+00, v6;
	v5 =	vld [tilespmem:s23+$0xFFFFFF30]  }
0x29: {  	v6 =	vld [tilespmem:s23+$0xFFFFFF80];
	[tilespmem:s23+$0xFFFFFE90] =	vst v0;
	v0 =	vmul.f32 $8.000000000e+00, v7  }
0x2a: {  	[tilespmem:s23+$0xFFFFFEA0] =	vst v2;
	v2 =	vld [tilespmem:s23+$0xFFFFFF90];
	v1 =	vmul.f32 $8.000000000e+00, v1  }
0x2b: {  	[tilespmem:s23+$0xFFFFFEB0] =	vst v0;
	v0 =	vmul.f32 $8.000000000e+00, v3;
	v3 =	vld [tilespmem:s23+$0xFFFFFFA0]  }
0x2c: {  	[tilespmem:s23+$0xFFFFFF00] =	vst v1;
	v1 =	vmul.f32 $8.000000000e+00, v4;
	v4 =	vld [tilespmem:s23+$0xFFFFFFB0]  }
0x2d: {  	[tilespmem:s23+$0xFFFFFF10] =	vst v0;
	v0 =	vmul.f32 $8.000000000e+00, v5;
	v5 =	vld [tilespmem:s23+$0x0]  }
0x2e: {  	[tilespmem:s23+$0xFFFFFF20] =	vst v1;
	v1 =	vmul.f32 $8.000000000e+00, v6;
	v6 =	vld [tilespmem:s23+$0x10]  }
0x2f: {  	[tilespmem:s23+$0xFFFFFF30] =	vst v0;
	v0 =	vmul.f32 $8.000000000e+00, v2;
	v2 =	vld [tilespmem:s23+$0x20]  }
0x30: {  	[tilespmem:s23+$0xFFFFFF80] =	vst v1;
	v1 =	vmul.f32 $8.000000000e+00, v3;
	v3 =	vld [tilespmem:s23+$0x30]  }
0x31: {  	[tilespmem:s23+$0xFFFFFF90] =	vst v0;
	v0 =	vmul.f32 $8.000000000e+00, v4;
	v4 =	vld [tilespmem:s23+$0x80]  }
0x32: {  	[tilespmem:s23+$0xFFFFFFA0] =	vst v1;
	v1 =	vmul.f32 $8.000000000e+00, v5;
	v5 =	vld [tilespmem:s23+$0x90]  }
0x33: {  	[tilespmem:s23+$0xFFFFFFB0] =	vst v0;
	v0 =	vmul.f32 $8.000000000e+00, v6;
	v6 =	vld [tilespmem:s23+$0xA0]  }
0x34: {  	[tilespmem:s23+$0x0] =	vst v1;
	v1 =	vmul.f32 $8.000000000e+00, v2;
	v2 =	vld [tilespmem:s23+$0xB0]  }
0x35: {  	[tilespmem:s23+$0x10] =	vst v0;
	v0 =	vmul.f32 $8.000000000e+00, v3;
	v3 =	vld [tilespmem:s23+$0x100]  }
0x36: {  	[tilespmem:s23+$0x20] =	vst v1;
	v1 =	vmul.f32 $8.000000000e+00, v4;
	v4 =	vld [tilespmem:s23+$0x110]  }
0x37: {  	v7 =	vld [tilespmem:s23+$0x120];
	[tilespmem:s23+$0x30] =	vst v0;
	v5 =	vmul.f32 $8.000000000e+00, v5  }
0x38: {  	v0 =	vld [tilespmem:s23+$0x130];
	[tilespmem:s23+$0x80] =	vst v1;
	v6 =	vmul.f32 $8.000000000e+00, v6  }
0x39: {  	v1 =	vld [tilespmem:s23+$0x180];
	[tilespmem:s23+$0x90] =	vst v5;
	v5 =	vmul.f32 $8.000000000e+00, v2  }
0x3a: {  	v2 =	vld [tilespmem:s23+$0x190];
	[tilespmem:s23+$0xA0] =	vst v6;
	v6 =	vmul.f32 $8.000000000e+00, v3  }
0x3b: {  	v3 =	vld [tilespmem:s23+$0x1A0];
	[tilespmem:s23+$0xB0] =	vst v5;
	v5 =	vmul.f32 $8.000000000e+00, v4  }
0x3c: {  	s24 =	simm.s32 $0x0;
	s25 =	simm.s32 $0x6A00;
	v4 =	vld [tilespmem:s23+$0xFFFFFE00];
	[tilespmem:s23+$0x100] =	vst v6;
	v6 =	vmul.f32 $8.000000000e+00, v7  }
.LBB2_3:
0x3d: {  	v7 =	vld [tilespmem:s25+$0x1B0];
	s24 =	sadd.s32 $0x8, s24;
	[tilespmem:s23+$0x110] =	vst v5;
	v0 =	vmul.f32 $8.000000000e+00, v0  }
0x3e: {  	v5 =	vld [tilespmem:s25+$0xFFFFFE10];
	p0 =	slt.u32 s24, $0xF8;
	[tilespmem:s23+$0x120] =	vst v6;
	v1 =	vmul.f32 $8.000000000e+00, v1  }
0x3f: {  	v6 =	vld [tilespmem:s25+$0xFFFFFE20];
	[tilespmem:s23+$0x130] =	vst v0;
	v0 =	vmul.f32 $8.000000000e+00, v2  }
0x40: {  	v2 =	vld [tilespmem:s25+$0xFFFFFE30];
	[tilespmem:s23+$0x180] =	vst v1;
	v1 =	vmul.f32 $8.000000000e+00, v3  }
0x41: {  	v3 =	vld [tilespmem:s25+$0xFFFFFE80];
	v4 =	vmul.f32 $8.000000000e+00, v4;
	[tilespmem:s23+$0x190] =	vst v0  }
0x42: {  	v0 =	vld [tilespmem:s25+$0xFFFFFE90];
	v7 =	vmul.f32 $8.000000000e+00, v7;
	[tilespmem:s23+$0x1A0] =	vst v1  }
0x43: {  	v1 =	vmul.f32 $8.000000000e+00, v5;
	v5 =	vld [tilespmem:s25+$0xFFFFFEA0];
	[tilespmem:s23+$0xFFFFFE00] =	vst v4;
	s23 =	smov.u32 s25  }
0x44: {  	v4 =	vmul.f32 $8.000000000e+00, v6;
	v6 =	vld [tilespmem:s25+$0xFFFFFEB0];
	[tilespmem:s25+$0x1B0] =	vst v7  }
0x45: {  	[tilespmem:s25+$0xFFFFFE10] =	vst v1;
	v1 =	vmul.f32 $8.000000000e+00, v2;
	v2 =	vld [tilespmem:s25+$0xFFFFFF00]  }
0x46: {  	[tilespmem:s25+$0xFFFFFE20] =	vst v4;
	v3 =	vmul.f32 $8.000000000e+00, v3;
	v4 =	vld [tilespmem:s25+$0xFFFFFF10]  }
0x47: {  	[tilespmem:s25+$0xFFFFFE30] =	vst v1;
	v0 =	vmul.f32 $8.000000000e+00, v0;
	v1 =	vld [tilespmem:s25+$0xFFFFFF20]  }
0x48: {  	[tilespmem:s25+$0xFFFFFE80] =	vst v3;
	v3 =	vmul.f32 $8.000000000e+00, v5;
	v5 =	vld [tilespmem:s25+$0xFFFFFF30]  }
0x49: {  	[tilespmem:s25+$0xFFFFFE90] =	vst v0;
	v0 =	vmul.f32 $8.000000000e+00, v6;
	v6 =	vld [tilespmem:s25+$0xFFFFFF80]  }
0x4a: {  	[tilespmem:s25+$0xFFFFFEA0] =	vst v3;
	v2 =	vmul.f32 $8.000000000e+00, v2;
	v3 =	vld [tilespmem:s25+$0xFFFFFF90]  }
0x4b: {  	[tilespmem:s25+$0xFFFFFEB0] =	vst v0;
	v0 =	vmul.f32 $8.000000000e+00, v4;
	v4 =	vld [tilespmem:s25+$0xFFFFFFA0]  }
0x4c: {  	[tilespmem:s25+$0xFFFFFF00] =	vst v2;
	v1 =	vmul.f32 $8.000000000e+00, v1;
	v2 =	vld [tilespmem:s25+$0xFFFFFFB0]  }
0x4d: {  	[tilespmem:s25+$0xFFFFFF10] =	vst v0;
	v0 =	vmul.f32 $8.000000000e+00, v5;
	v5 =	vld [tilespmem:s25+$0x0]  }
0x4e: {  	[tilespmem:s25+$0xFFFFFF20] =	vst v1;
	v1 =	vmul.f32 $8.000000000e+00, v6;
	v6 =	vld [tilespmem:s25+$0x10]  }
0x4f: {  	[tilespmem:s25+$0xFFFFFF30] =	vst v0;
	v0 =	vmul.f32 $8.000000000e+00, v3;
	v3 =	vld [tilespmem:s25+$0x20]  }
0x50: {  	[tilespmem:s25+$0xFFFFFF80] =	vst v1;
	v1 =	vmul.f32 $8.000000000e+00, v4;
	v4 =	vld [tilespmem:s25+$0x30]  }
0x51: {  	[tilespmem:s25+$0xFFFFFF90] =	vst v0;
	v0 =	vmul.f32 $8.000000000e+00, v2;
	v2 =	vld [tilespmem:s25+$0x80]  }
0x52: {  	[tilespmem:s25+$0xFFFFFFA0] =	vst v1;
	v1 =	vmul.f32 $8.000000000e+00, v5;
	v5 =	vld [tilespmem:s25+$0x90]  }
0x53: {  	[tilespmem:s25+$0xFFFFFFB0] =	vst v0;
	v0 =	vmul.f32 $8.000000000e+00, v6;
	v6 =	vld [tilespmem:s25+$0xA0]  }
0x54: {  	[tilespmem:s25+$0x0] =	vst v1;
	v1 =	vmul.f32 $8.000000000e+00, v3;
	v3 =	vld [tilespmem:s25+$0xB0]  }
0x55: {  	[tilespmem:s25+$0x10] =	vst v0;
	v0 =	vmul.f32 $8.000000000e+00, v4;
	v4 =	vld [tilespmem:s25+$0x100]  }
0x56: {  	[tilespmem:s25+$0x20] =	vst v1;
	v1 =	vmul.f32 $8.000000000e+00, v2;
	v7 =	vld [tilespmem:s25+$0x110]  }
0x57: {  	[tilespmem:s25+$0x30] =	vst v0;
	v2 =	vmul.f32 $8.000000000e+00, v5;
	v8 =	vld [tilespmem:s25+$0x120]  }
.Ltmp0:
0x58: {  	[tilespmem:s25+$0x80] =	vst v1;
	v5 =	vmul.f32 $8.000000000e+00, v6;
	v0 =	vld [tilespmem:s25+$0x130];
	(pc) =	sbr.rel @p0 .LBB2_3-.Ltmp0, $4  }
0x59: {  	[tilespmem:s25+$0x90] =	vst v2;
	v3 =	vmul.f32 $8.000000000e+00, v3;
	v1 =	vld [tilespmem:s25+$0x180]  }
0x5a: {  	[tilespmem:s25+$0xA0] =	vst v5;
	v6 =	vmul.f32 $8.000000000e+00, v4;
	v2 =	vld [tilespmem:s25+$0x190]  }
0x5b: {  	[tilespmem:s25+$0xB0] =	vst v3;
	v5 =	vmul.f32 $8.000000000e+00, v7;
	v3 =	vld [tilespmem:s25+$0x1A0]  }
0x5c: {  	s25 =	sadd.s32 $0x400, s25;
	v4 =	vld [tilespmem:s23+$0xFFFFFE00];
	[tilespmem:s23+$0x100] =	vst v6;
	v6 =	vmul.f32 $8.000000000e+00, v8  }
0x5d: {  	[tilespmem:s23+$0x110] =	vst v5;
	v0 =	vmul.f32 $8.000000000e+00, v0  }
0x5e: {  	[tilespmem:s23+$0x120] =	vst v6;
	v1 =	vmul.f32 $8.000000000e+00, v1  }
0x5f: {  	[tilespmem:s23+$0x130] =	vst v0;
	v0 =	vmul.f32 $8.000000000e+00, v2  }
0x60: {  	s24 =	sshll.u32 s21, $0x10;
	[tilespmem:s23+$0x180] =	vst v1;
	v1 =	vmul.f32 $8.000000000e+00, v3  }
0x61: {  	s24 =	sadd.s32 s3, s24;
	v2 =	vmul.f32 $8.000000000e+00, v4;
	[tilespmem:s23+$0x190] =	vst v0  }
0x62: {  	s24 =	sshrl.u32 s24, $0x3;
	[tilespmem:s23+$0x1A0] =	vst v1  }
0x63: {  	s29 =	sadd.s32 s4, s24;
	[tilespmem:s23+$0xFFFFFE00] =	vst v2  }
0x64: {  	[hbm4b:s29+s2] =	stream.linear.scatter [tilespmem:s12], [sflag:$0x3], $0x8000, $0x38;
	[tilespmem:$0x16400] =	vst v63  }
0x65: {  	s30 =	sshll.u32 s21, $0x9;
	_ =	swait.ge [sflag:s10], $0x8000  }
0x66: {  	s23 =	sand.u32 $0x3FFFFE00, s30;
	[sflag:s10] =	ssyncset.done $0x0  }
0x67: {  	s31 =	sadd.s32 $0x200, s23;
	[sflag:s10] =	ssyncadd.s32 $0xFFFF8000  }
0x68: {  	[tilespmem:s12], [sflag:$0x1] =	stream.indirect.gather [hbm4b:s5+s11], $0x80, s31, s11, $0xb8;
	[tilespmem:$0x16400] =	vst v63  }
0x69: {  	s23 =	sadd.s32 $0x280, s23  }
0x6a: {  	[tilespmem:s13], [sflag:$0x1] =	stream.indirect.gather [hbm4b:s5+s11], $0x80, s23, s11, $0xb8;
	[tilespmem:$0x16400] =	vst v63  }
0x6b: {  	_ =	swait.ge [sflag:s17], $0x8000  }
0x6c: {  	[sflag:s17] =	ssyncset.done $0x0  }
0x6d: {  	s23 =	simm.s32 $0xE600;
	[sflag:s17] =	ssyncadd.s32 $0xFFFF8000  }
0x6e: {  	v0 =	vld [tilespmem:s23+$0x1B0]  }
0x6f: {  	v1 =	vld [tilespmem:s23+$0xFFFFFE10]  }
0x70: {  	v2 =	vld [tilespmem:s23+$0xFFFFFE20]  }
0x71: {  	v3 =	vld [tilespmem:s23+$0xFFFFFE30]  }
0x72: {  	v4 =	vld [tilespmem:s23+$0xFFFFFE80]  }
0x73: {  	v5 =	vld [tilespmem:s23+$0xFFFFFE90];
	v0 =	vmul.f32 $8.000000000e+00, v0  }
0x74: {  	v6 =	vld [tilespmem:s23+$0xFFFFFEA0];
	v1 =	vmul.f32 $8.000000000e+00, v1  }
0x75: {  	v7 =	vld [tilespmem:s23+$0xFFFFFEB0];
	v2 =	vmul.f32 $8.000000000e+00, v2;
	[tilespmem:s23+$0x1B0] =	vst v0  }
0x76: {  	[tilespmem:s23+$0xFFFFFE10] =	vst v1;
	v0 =	vmul.f32 $8.000000000e+00, v3;
	v1 =	vld [tilespmem:s23+$0xFFFFFF00]  }
0x77: {  	[tilespmem:s23+$0xFFFFFE20] =	vst v2;
	v2 =	vmul.f32 $8.000000000e+00, v4;
	v3 =	vld [tilespmem:s23+$0xFFFFFF10]  }
0x78: {  	v4 =	vld [tilespmem:s23+$0xFFFFFF20];
	[tilespmem:s23+$0xFFFFFE30] =	vst v0;
	v0 =	vmul.f32 $8.000000000e+00, v5  }
0x79: {  	[tilespmem:s23+$0xFFFFFE80] =	vst v2;
	v2 =	vmul.f32 $8.000000000e+00, v6;
	v5 =	vld [tilespmem:s23+$0xFFFFFF30]  }
0x7a: {  	v6 =	vld [tilespmem:s23+$0xFFFFFF80];
	[tilespmem:s23+$0xFFFFFE90] =	vst v0;
	v0 =	vmul.f32 $8.000000000e+00, v7  }
0x7b: {  	[tilespmem:s23+$0xFFFFFEA0] =	vst v2;
	v2 =	vld [tilespmem:s23+$0xFFFFFF90];
	v1 =	vmul.f32 $8.000000000e+00, v1  }
0x7c: {  	[tilespmem:s23+$0xFFFFFEB0] =	vst v0;
	v0 =	vmul.f32 $8.000000000e+00, v3;
	v3 =	vld [tilespmem:s23+$0xFFFFFFA0]  }
0x7d: {  	[tilespmem:s23+$0xFFFFFF00] =	vst v1;
	v1 =	vmul.f32 $8.000000000e+00, v4;
	v4 =	vld [tilespmem:s23+$0xFFFFFFB0]  }
0x7e: {  	[tilespmem:s23+$0xFFFFFF10] =	vst v0;
	v0 =	vmul.f32 $8.000000000e+00, v5;
	v5 =	vld [tilespmem:s23+$0x0]  }
0x7f: {  	[tilespmem:s23+$0xFFFFFF20] =	vst v1;
	v1 =	vmul.f32 $8.000000000e+00, v6;
	v6 =	vld [tilespmem:s23+$0x10]  }
0x80: {  	[tilespmem:s23+$0xFFFFFF30] =	vst v0;
	v0 =	vmul.f32 $8.000000000e+00, v2;
	v2 =	vld [tilespmem:s23+$0x20]  }
0x81: {  	[tilespmem:s23+$0xFFFFFF80] =	vst v1;
	v1 =	vmul.f32 $8.000000000e+00, v3;
	v3 =	vld [tilespmem:s23+$0x30]  }
0x82: {  	[tilespmem:s23+$0xFFFFFF90] =	vst v0;
	v0 =	vmul.f32 $8.000000000e+00, v4;
	v4 =	vld [tilespmem:s23+$0x80]  }
0x83: {  	[tilespmem:s23+$0xFFFFFFA0] =	vst v1;
	v1 =	vmul.f32 $8.000000000e+00, v5;
	v5 =	vld [tilespmem:s23+$0x90]  }
0x84: {  	[tilespmem:s23+$0xFFFFFFB0] =	vst v0;
	v0 =	vmul.f32 $8.000000000e+00, v6;
	v6 =	vld [tilespmem:s23+$0xA0]  }
0x85: {  	[tilespmem:s23+$0x0] =	vst v1;
	v1 =	vmul.f32 $8.000000000e+00, v2;
	v2 =	vld [tilespmem:s23+$0xB0]  }
0x86: {  	[tilespmem:s23+$0x10] =	vst v0;
	v0 =	vmul.f32 $8.000000000e+00, v3;
	v3 =	vld [tilespmem:s23+$0x100]  }
0x87: {  	[tilespmem:s23+$0x20] =	vst v1;
	v1 =	vmul.f32 $8.000000000e+00, v4;
	v4 =	vld [tilespmem:s23+$0x110]  }
0x88: {  	v7 =	vld [tilespmem:s23+$0x120];
	[tilespmem:s23+$0x30] =	vst v0;
	v5 =	vmul.f32 $8.000000000e+00, v5  }
0x89: {  	v0 =	vld [tilespmem:s23+$0x130];
	[tilespmem:s23+$0x80] =	vst v1;
	v6 =	vmul.f32 $8.000000000e+00, v6  }
0x8a: {  	v1 =	vld [tilespmem:s23+$0x180];
	[tilespmem:s23+$0x90] =	vst v5;
	v5 =	vmul.f32 $8.000000000e+00, v2  }
0x8b: {  	v2 =	vld [tilespmem:s23+$0x190];
	[tilespmem:s23+$0xA0] =	vst v6;
	v6 =	vmul.f32 $8.000000000e+00, v3  }
0x8c: {  	v3 =	vld [tilespmem:s23+$0x1A0];
	[tilespmem:s23+$0xB0] =	vst v5;
	v5 =	vmul.f32 $8.000000000e+00, v4  }
0x8d: {  	s25 =	simm.s32 $0xEA00;
	s24 =	simm.s32 $0x0;
	v4 =	vld [tilespmem:s23+$0xFFFFFE00];
	[tilespmem:s23+$0x100] =	vst v6;
	v6 =	vmul.f32 $8.000000000e+00, v7  }
.LBB2_5:
0x8e: {  	v7 =	vld [tilespmem:s25+$0x1B0];
	s24 =	sadd.s32 $0x8, s24;
	[tilespmem:s23+$0x110] =	vst v5;
	v0 =	vmul.f32 $8.000000000e+00, v0  }
0x8f: {  	v5 =	vld [tilespmem:s25+$0xFFFFFE10];
	p0 =	slt.u32 s24, $0xF8;
	[tilespmem:s23+$0x120] =	vst v6;
	v1 =	vmul.f32 $8.000000000e+00, v1  }
0x90: {  	v6 =	vld [tilespmem:s25+$0xFFFFFE20];
	[tilespmem:s23+$0x130] =	vst v0;
	v0 =	vmul.f32 $8.000000000e+00, v2  }
0x91: {  	v2 =	vld [tilespmem:s25+$0xFFFFFE30];
	[tilespmem:s23+$0x180] =	vst v1;
	v1 =	vmul.f32 $8.000000000e+00, v3  }
0x92: {  	v3 =	vld [tilespmem:s25+$0xFFFFFE80];
	v4 =	vmul.f32 $8.000000000e+00, v4;
	[tilespmem:s23+$0x190] =	vst v0  }
0x93: {  	v0 =	vld [tilespmem:s25+$0xFFFFFE90];
	v7 =	vmul.f32 $8.000000000e+00, v7;
	[tilespmem:s23+$0x1A0] =	vst v1  }
0x94: {  	v1 =	vmul.f32 $8.000000000e+00, v5;
	v5 =	vld [tilespmem:s25+$0xFFFFFEA0];
	[tilespmem:s23+$0xFFFFFE00] =	vst v4;
	s23 =	smov.u32 s25  }
0x95: {  	v4 =	vmul.f32 $8.000000000e+00, v6;
	v6 =	vld [tilespmem:s25+$0xFFFFFEB0];
	[tilespmem:s25+$0x1B0] =	vst v7  }
0x96: {  	[tilespmem:s25+$0xFFFFFE10] =	vst v1;
	v1 =	vmul.f32 $8.000000000e+00, v2;
	v2 =	vld [tilespmem:s25+$0xFFFFFF00]  }
0x97: {  	[tilespmem:s25+$0xFFFFFE20] =	vst v4;
	v3 =	vmul.f32 $8.000000000e+00, v3;
	v4 =	vld [tilespmem:s25+$0xFFFFFF10]  }
0x98: {  	[tilespmem:s25+$0xFFFFFE30] =	vst v1;
	v0 =	vmul.f32 $8.000000000e+00, v0;
	v1 =	vld [tilespmem:s25+$0xFFFFFF20]  }
0x99: {  	[tilespmem:s25+$0xFFFFFE80] =	vst v3;
	v3 =	vmul.f32 $8.000000000e+00, v5;
	v5 =	vld [tilespmem:s25+$0xFFFFFF30]  }
0x9a: {  	[tilespmem:s25+$0xFFFFFE90] =	vst v0;
	v0 =	vmul.f32 $8.000000000e+00, v6;
	v6 =	vld [tilespmem:s25+$0xFFFFFF80]  }
0x9b: {  	[tilespmem:s25+$0xFFFFFEA0] =	vst v3;
	v2 =	vmul.f32 $8.000000000e+00, v2;
	v3 =	vld [tilespmem:s25+$0xFFFFFF90]  }
0x9c: {  	[tilespmem:s25+$0xFFFFFEB0] =	vst v0;
	v0 =	vmul.f32 $8.000000000e+00, v4;
	v4 =	vld [tilespmem:s25+$0xFFFFFFA0]  }
0x9d: {  	[tilespmem:s25+$0xFFFFFF00] =	vst v2;
	v1 =	vmul.f32 $8.000000000e+00, v1;
	v2 =	vld [tilespmem:s25+$0xFFFFFFB0]  }
0x9e: {  	[tilespmem:s25+$0xFFFFFF10] =	vst v0;
	v0 =	vmul.f32 $8.000000000e+00, v5;
	v5 =	vld [tilespmem:s25+$0x0]  }
0x9f: {  	[tilespmem:s25+$0xFFFFFF20] =	vst v1;
	v1 =	vmul.f32 $8.000000000e+00, v6;
	v6 =	vld [tilespmem:s25+$0x10]  }
0xa0: {  	[tilespmem:s25+$0xFFFFFF30] =	vst v0;
	v0 =	vmul.f32 $8.000000000e+00, v3;
	v3 =	vld [tilespmem:s25+$0x20]  }
0xa1: {  	[tilespmem:s25+$0xFFFFFF80] =	vst v1;
	v1 =	vmul.f32 $8.000000000e+00, v4;
	v4 =	vld [tilespmem:s25+$0x30]  }
0xa2: {  	[tilespmem:s25+$0xFFFFFF90] =	vst v0;
	v0 =	vmul.f32 $8.000000000e+00, v2;
	v2 =	vld [tilespmem:s25+$0x80]  }
0xa3: {  	[tilespmem:s25+$0xFFFFFFA0] =	vst v1;
	v1 =	vmul.f32 $8.000000000e+00, v5;
	v5 =	vld [tilespmem:s25+$0x90]  }
0xa4: {  	[tilespmem:s25+$0xFFFFFFB0] =	vst v0;
	v0 =	vmul.f32 $8.000000000e+00, v6;
	v6 =	vld [tilespmem:s25+$0xA0]  }
0xa5: {  	[tilespmem:s25+$0x0] =	vst v1;
	v1 =	vmul.f32 $8.000000000e+00, v3;
	v3 =	vld [tilespmem:s25+$0xB0]  }
0xa6: {  	[tilespmem:s25+$0x10] =	vst v0;
	v0 =	vmul.f32 $8.000000000e+00, v4;
	v4 =	vld [tilespmem:s25+$0x100]  }
0xa7: {  	[tilespmem:s25+$0x20] =	vst v1;
	v1 =	vmul.f32 $8.000000000e+00, v2;
	v7 =	vld [tilespmem:s25+$0x110]  }
0xa8: {  	[tilespmem:s25+$0x30] =	vst v0;
	v2 =	vmul.f32 $8.000000000e+00, v5;
	v8 =	vld [tilespmem:s25+$0x120]  }
.Ltmp1:
0xa9: {  	[tilespmem:s25+$0x80] =	vst v1;
	v5 =	vmul.f32 $8.000000000e+00, v6;
	v0 =	vld [tilespmem:s25+$0x130];
	(pc) =	sbr.rel @p0 .LBB2_5-.Ltmp1, $4  }
0xaa: {  	[tilespmem:s25+$0x90] =	vst v2;
	v3 =	vmul.f32 $8.000000000e+00, v3;
	v1 =	vld [tilespmem:s25+$0x180]  }
0xab: {  	[tilespmem:s25+$0xA0] =	vst v5;
	v6 =	vmul.f32 $8.000000000e+00, v4;
	v2 =	vld [tilespmem:s25+$0x190]  }
0xac: {  	[tilespmem:s25+$0xB0] =	vst v3;
	v5 =	vmul.f32 $8.000000000e+00, v7;
	v3 =	vld [tilespmem:s25+$0x1A0]  }
0xad: {  	s25 =	sadd.s32 $0x400, s25;
	v4 =	vld [tilespmem:s23+$0xFFFFFE00];
	[tilespmem:s23+$0x100] =	vst v6;
	v6 =	vmul.f32 $8.000000000e+00, v8  }
0xae: {  	[tilespmem:s23+$0x110] =	vst v5;
	v0 =	vmul.f32 $8.000000000e+00, v0  }
0xaf: {  	[tilespmem:s23+$0x120] =	vst v6;
	v1 =	vmul.f32 $8.000000000e+00, v1  }
0xb0: {  	[tilespmem:s23+$0x130] =	vst v0;
	v61 =	vmul.f32 $8.000000000e+00, v2  }
0xb1: {  	s22 =	sshll.u32 s22, $0xF;
	[tilespmem:s23+$0x180] =	vst v1;
	v62 =	vmul.f32 $8.000000000e+00, v3  }
0xb2: {  	s21 =	sadd.s32 $0x1, s21;
	s22 =	sadd.s32 s3, s22;
	v63 =	vmul.f32 $8.000000000e+00, v4;
	[tilespmem:s23+$0x190] =	vst v61  }
0xb3: {  	p0 =	sne.s32 s21, $0x31;
	s22 =	sshrl.u32 s22, $0x3;
	[tilespmem:s23+$0x1A0] =	vst v62  }
.Ltmp2:
0xb4: {  	s22 =	sadd.s32 s4, s22;
	[tilespmem:s23+$0xFFFFFE00] =	vst v63;
	(pc) =	sbr.rel @p0 .LBB2_2-.Ltmp2, $4  }
0xb5: {  	[hbm4b:s22+s2] =	stream.linear.scatter [tilespmem:s14], [sflag:$0x3], $0x8000, $0x38;
	[tilespmem:$0x16400] =	vst v63  }
0xb6: {  	_ =	swait.ge [sflag:s10], $0x8000  }
0xb7: {  	[sflag:s10] =	ssyncset.done $0x0  }
0xb8: {  	[sflag:s10] =	ssyncadd.s32 $0xFFFF8000  }
0xb9: {  	[tilespmem:s14], [sflag:$0x2] =	stream.indirect.gather [hbm4b:s5+s11], $0x80, s18, s11, $0xb8;
	[tilespmem:$0x16400] =	vst v63  }
0xba: {  	_ = 	snop  }
0xbb: {  	[tilespmem:s15], [sflag:$0x2] =	stream.indirect.gather [hbm4b:s5+s11], $0x80, s19, s11, $0xb8;
	[tilespmem:$0x16400] =	vst v63  }
0xbc: {  	_ =	swait.ge [sflag:s16], $0x8000  }
0xbd: {  	[sflag:s16] =	ssyncset.done $0x0  }
0xbe: {  	s21 =	simm.s32 $0x6600;
	[sflag:s16] =	ssyncadd.s32 $0xFFFF8000  }
0xbf: {  	v0 =	vld [tilespmem:s21+$0x1B0]  }
0xc0: {  	v1 =	vld [tilespmem:s21+$0xFFFFFE10]  }
0xc1: {  	v2 =	vld [tilespmem:s21+$0xFFFFFE20]  }
0xc2: {  	v3 =	vld [tilespmem:s21+$0xFFFFFE30]  }
0xc3: {  	v4 =	vld [tilespmem:s21+$0xFFFFFE80]  }
0xc4: {  	v5 =	vld [tilespmem:s21+$0xFFFFFE90];
	v0 =	vmul.f32 $8.000000000e+00, v0  }
0xc5: {  	v6 =	vld [tilespmem:s21+$0xFFFFFEA0];
	v1 =	vmul.f32 $8.000000000e+00, v1  }
0xc6: {  	v7 =	vld [tilespmem:s21+$0xFFFFFEB0];
	v2 =	vmul.f32 $8.000000000e+00, v2;
	[tilespmem:s21+$0x1B0] =	vst v0  }
0xc7: {  	[tilespmem:s21+$0xFFFFFE10] =	vst v1;
	v0 =	vmul.f32 $8.000000000e+00, v3;
	v1 =	vld [tilespmem:s21+$0xFFFFFF00]  }
0xc8: {  	[tilespmem:s21+$0xFFFFFE20] =	vst v2;
	v2 =	vmul.f32 $8.000000000e+00, v4;
	v3 =	vld [tilespmem:s21+$0xFFFFFF10]  }
0xc9: {  	v4 =	vld [tilespmem:s21+$0xFFFFFF20];
	[tilespmem:s21+$0xFFFFFE30] =	vst v0;
	v0 =	vmul.f32 $8.000000000e+00, v5  }
0xca: {  	[tilespmem:s21+$0xFFFFFE80] =	vst v2;
	v2 =	vmul.f32 $8.000000000e+00, v6;
	v5 =	vld [tilespmem:s21+$0xFFFFFF30]  }
0xcb: {  	v6 =	vld [tilespmem:s21+$0xFFFFFF80];
	[tilespmem:s21+$0xFFFFFE90] =	vst v0;
	v0 =	vmul.f32 $8.000000000e+00, v7  }
0xcc: {  	[tilespmem:s21+$0xFFFFFEA0] =	vst v2;
	v2 =	vld [tilespmem:s21+$0xFFFFFF90];
	v1 =	vmul.f32 $8.000000000e+00, v1  }
0xcd: {  	[tilespmem:s21+$0xFFFFFEB0] =	vst v0;
	v0 =	vmul.f32 $8.000000000e+00, v3;
	v3 =	vld [tilespmem:s21+$0xFFFFFFA0]  }
0xce: {  	[tilespmem:s21+$0xFFFFFF00] =	vst v1;
	v1 =	vmul.f32 $8.000000000e+00, v4;
	v4 =	vld [tilespmem:s21+$0xFFFFFFB0]  }
0xcf: {  	[tilespmem:s21+$0xFFFFFF10] =	vst v0;
	v0 =	vmul.f32 $8.000000000e+00, v5;
	v5 =	vld [tilespmem:s21+$0x0]  }
0xd0: {  	[tilespmem:s21+$0xFFFFFF20] =	vst v1;
	v1 =	vmul.f32 $8.000000000e+00, v6;
	v6 =	vld [tilespmem:s21+$0x10]  }
0xd1: {  	[tilespmem:s21+$0xFFFFFF30] =	vst v0;
	v0 =	vmul.f32 $8.000000000e+00, v2;
	v2 =	vld [tilespmem:s21+$0x20]  }
0xd2: {  	[tilespmem:s21+$0xFFFFFF80] =	vst v1;
	v1 =	vmul.f32 $8.000000000e+00, v3;
	v3 =	vld [tilespmem:s21+$0x30]  }
0xd3: {  	[tilespmem:s21+$0xFFFFFF90] =	vst v0;
	v0 =	vmul.f32 $8.000000000e+00, v4;
	v4 =	vld [tilespmem:s21+$0x80]  }
0xd4: {  	[tilespmem:s21+$0xFFFFFFA0] =	vst v1;
	v1 =	vmul.f32 $8.000000000e+00, v5;
	v5 =	vld [tilespmem:s21+$0x90]  }
0xd5: {  	[tilespmem:s21+$0xFFFFFFB0] =	vst v0;
	v0 =	vmul.f32 $8.000000000e+00, v6;
	v6 =	vld [tilespmem:s21+$0xA0]  }
0xd6: {  	[tilespmem:s21+$0x0] =	vst v1;
	v1 =	vmul.f32 $8.000000000e+00, v2;
	v2 =	vld [tilespmem:s21+$0xB0]  }
0xd7: {  	[tilespmem:s21+$0x10] =	vst v0;
	v0 =	vmul.f32 $8.000000000e+00, v3;
	v3 =	vld [tilespmem:s21+$0x100]  }
0xd8: {  	[tilespmem:s21+$0x20] =	vst v1;
	v1 =	vmul.f32 $8.000000000e+00, v4;
	v4 =	vld [tilespmem:s21+$0x110]  }
0xd9: {  	v7 =	vld [tilespmem:s21+$0x120];
	[tilespmem:s21+$0x30] =	vst v0;
	v5 =	vmul.f32 $8.000000000e+00, v5  }
0xda: {  	v0 =	vld [tilespmem:s21+$0x130];
	[tilespmem:s21+$0x80] =	vst v1;
	v6 =	vmul.f32 $8.000000000e+00, v6  }
0xdb: {  	v1 =	vld [tilespmem:s21+$0x180];
	[tilespmem:s21+$0x90] =	vst v5;
	v5 =	vmul.f32 $8.000000000e+00, v2  }
0xdc: {  	v2 =	vld [tilespmem:s21+$0x190];
	[tilespmem:s21+$0xA0] =	vst v6;
	v6 =	vmul.f32 $8.000000000e+00, v3  }
0xdd: {  	v3 =	vld [tilespmem:s21+$0x1A0];
	[tilespmem:s21+$0xB0] =	vst v5;
	v5 =	vmul.f32 $8.000000000e+00, v4  }
0xde: {  	s22 =	simm.s32 $0x0;
	s23 =	simm.s32 $0x6A00;
	v4 =	vld [tilespmem:s21+$0xFFFFFE00];
	[tilespmem:s21+$0x100] =	vst v6;
	v6 =	vmul.f32 $8.000000000e+00, v7  }
.LBB2_8:
0xdf: {  	v7 =	vld [tilespmem:s23+$0x1B0];
	s22 =	sadd.s32 $0x8, s22;
	[tilespmem:s21+$0x110] =	vst v5;
	v0 =	vmul.f32 $8.000000000e+00, v0  }
0xe0: {  	v5 =	vld [tilespmem:s23+$0xFFFFFE10];
	p0 =	slt.u32 s22, $0xF8;
	[tilespmem:s21+$0x120] =	vst v6;
	v1 =	vmul.f32 $8.000000000e+00, v1  }
0xe1: {  	v6 =	vld [tilespmem:s23+$0xFFFFFE20];
	[tilespmem:s21+$0x130] =	vst v0;
	v0 =	vmul.f32 $8.000000000e+00, v2  }
0xe2: {  	v2 =	vld [tilespmem:s23+$0xFFFFFE30];
	[tilespmem:s21+$0x180] =	vst v1;
	v1 =	vmul.f32 $8.000000000e+00, v3  }
0xe3: {  	v3 =	vld [tilespmem:s23+$0xFFFFFE80];
	v4 =	vmul.f32 $8.000000000e+00, v4;
	[tilespmem:s21+$0x190] =	vst v0  }
0xe4: {  	v0 =	vld [tilespmem:s23+$0xFFFFFE90];
	v7 =	vmul.f32 $8.000000000e+00, v7;
	[tilespmem:s21+$0x1A0] =	vst v1  }
0xe5: {  	v1 =	vmul.f32 $8.000000000e+00, v5;
	v5 =	vld [tilespmem:s23+$0xFFFFFEA0];
	[tilespmem:s21+$0xFFFFFE00] =	vst v4;
	s21 =	smov.u32 s23  }
0xe6: {  	v4 =	vmul.f32 $8.000000000e+00, v6;
	v6 =	vld [tilespmem:s23+$0xFFFFFEB0];
	[tilespmem:s23+$0x1B0] =	vst v7  }
0xe7: {  	[tilespmem:s23+$0xFFFFFE10] =	vst v1;
	v1 =	vmul.f32 $8.000000000e+00, v2;
	v2 =	vld [tilespmem:s23+$0xFFFFFF00]  }
0xe8: {  	[tilespmem:s23+$0xFFFFFE20] =	vst v4;
	v3 =	vmul.f32 $8.000000000e+00, v3;
	v4 =	vld [tilespmem:s23+$0xFFFFFF10]  }
0xe9: {  	[tilespmem:s23+$0xFFFFFE30] =	vst v1;
	v0 =	vmul.f32 $8.000000000e+00, v0;
	v1 =	vld [tilespmem:s23+$0xFFFFFF20]  }
0xea: {  	[tilespmem:s23+$0xFFFFFE80] =	vst v3;
	v3 =	vmul.f32 $8.000000000e+00, v5;
	v5 =	vld [tilespmem:s23+$0xFFFFFF30]  }
0xeb: {  	[tilespmem:s23+$0xFFFFFE90] =	vst v0;
	v0 =	vmul.f32 $8.000000000e+00, v6;
	v6 =	vld [tilespmem:s23+$0xFFFFFF80]  }
0xec: {  	[tilespmem:s23+$0xFFFFFEA0] =	vst v3;
	v2 =	vmul.f32 $8.000000000e+00, v2;
	v3 =	vld [tilespmem:s23+$0xFFFFFF90]  }
0xed: {  	[tilespmem:s23+$0xFFFFFEB0] =	vst v0;
	v0 =	vmul.f32 $8.000000000e+00, v4;
	v4 =	vld [tilespmem:s23+$0xFFFFFFA0]  }
0xee: {  	[tilespmem:s23+$0xFFFFFF00] =	vst v2;
	v1 =	vmul.f32 $8.000000000e+00, v1;
	v2 =	vld [tilespmem:s23+$0xFFFFFFB0]  }
0xef: {  	[tilespmem:s23+$0xFFFFFF10] =	vst v0;
	v0 =	vmul.f32 $8.000000000e+00, v5;
	v5 =	vld [tilespmem:s23+$0x0]  }
0xf0: {  	[tilespmem:s23+$0xFFFFFF20] =	vst v1;
	v1 =	vmul.f32 $8.000000000e+00, v6;
	v6 =	vld [tilespmem:s23+$0x10]  }
0xf1: {  	[tilespmem:s23+$0xFFFFFF30] =	vst v0;
	v0 =	vmul.f32 $8.000000000e+00, v3;
	v3 =	vld [tilespmem:s23+$0x20]  }
0xf2: {  	[tilespmem:s23+$0xFFFFFF80] =	vst v1;
	v1 =	vmul.f32 $8.000000000e+00, v4;
	v4 =	vld [tilespmem:s23+$0x30]  }
0xf3: {  	[tilespmem:s23+$0xFFFFFF90] =	vst v0;
	v0 =	vmul.f32 $8.000000000e+00, v2;
	v2 =	vld [tilespmem:s23+$0x80]  }
0xf4: {  	[tilespmem:s23+$0xFFFFFFA0] =	vst v1;
	v1 =	vmul.f32 $8.000000000e+00, v5;
	v5 =	vld [tilespmem:s23+$0x90]  }
0xf5: {  	[tilespmem:s23+$0xFFFFFFB0] =	vst v0;
	v0 =	vmul.f32 $8.000000000e+00, v6;
	v6 =	vld [tilespmem:s23+$0xA0]  }
0xf6: {  	[tilespmem:s23+$0x0] =	vst v1;
	v1 =	vmul.f32 $8.000000000e+00, v3;
	v3 =	vld [tilespmem:s23+$0xB0]  }
0xf7: {  	[tilespmem:s23+$0x10] =	vst v0;
	v0 =	vmul.f32 $8.000000000e+00, v4;
	v4 =	vld [tilespmem:s23+$0x100]  }
0xf8: {  	[tilespmem:s23+$0x20] =	vst v1;
	v1 =	vmul.f32 $8.000000000e+00, v2;
	v7 =	vld [tilespmem:s23+$0x110]  }
0xf9: {  	[tilespmem:s23+$0x30] =	vst v0;
	v2 =	vmul.f32 $8.000000000e+00, v5;
	v8 =	vld [tilespmem:s23+$0x120]  }
.Ltmp3:
0xfa: {  	[tilespmem:s23+$0x80] =	vst v1;
	v5 =	vmul.f32 $8.000000000e+00, v6;
	v0 =	vld [tilespmem:s23+$0x130];
	(pc) =	sbr.rel @p0 .LBB2_8-.Ltmp3, $4  }
0xfb: {  	[tilespmem:s23+$0x90] =	vst v2;
	v3 =	vmul.f32 $8.000000000e+00, v3;
	v1 =	vld [tilespmem:s23+$0x180]  }
0xfc: {  	[tilespmem:s23+$0xA0] =	vst v5;
	v6 =	vmul.f32 $8.000000000e+00, v4;
	v2 =	vld [tilespmem:s23+$0x190]  }
0xfd: {  	[tilespmem:s23+$0xB0] =	vst v3;
	v5 =	vmul.f32 $8.000000000e+00, v7;
	v3 =	vld [tilespmem:s23+$0x1A0]  }
0xfe: {  	s23 =	sadd.s32 $0x400, s23;
	v4 =	vld [tilespmem:s21+$0xFFFFFE00];
	[tilespmem:s21+$0x100] =	vst v6;
	v6 =	vmul.f32 $8.000000000e+00, v8  }
0xff: {  	[tilespmem:s21+$0x110] =	vst v5;
	v0 =	vmul.f32 $8.000000000e+00, v0  }
0x100: {  	[tilespmem:s21+$0x120] =	vst v6;
	v1 =	vmul.f32 $8.000000000e+00, v1  }
0x101: {  	[tilespmem:s21+$0x130] =	vst v0;
	v0 =	vmul.f32 $8.000000000e+00, v2  }
0x102: {  	[tilespmem:s21+$0x180] =	vst v1;
	v1 =	vmul.f32 $8.000000000e+00, v3  }
0x103: {  	v2 =	vmul.f32 $8.000000000e+00, v4;
	[tilespmem:s21+$0x190] =	vst v0  }
0x104: {  	[tilespmem:s21+$0x1A0] =	vst v1  }
0x105: {  	[tilespmem:s21+$0xFFFFFE00] =	vst v2  }
0x106: {  	[hbm4b:s7+s2] =	stream.linear.scatter [tilespmem:s12], [sflag:$0x3], $0x8000, $0x38;
	[tilespmem:$0x16400] =	vst v63  }
0x107: {  	_ =	swait.ge [sflag:s10], $0x8000  }
0x108: {  	[sflag:s10] =	ssyncset.done $0x0  }
0x109: {  	[sflag:s10] =	ssyncadd.s32 $0xFFFF8000  }
0x10a: {  	_ =	swait.ge [sflag:s17], $0x8000  }
0x10b: {  	[sflag:s17] =	ssyncset.done $0x0  }
0x10c: {  	s21 =	simm.s32 $0xE600;
	[sflag:s17] =	ssyncadd.s32 $0xFFFF8000  }
0x10d: {  	v0 =	vld [tilespmem:s21+$0x1B0]  }
0x10e: {  	v1 =	vld [tilespmem:s21+$0xFFFFFE10]  }
0x10f: {  	v2 =	vld [tilespmem:s21+$0xFFFFFE20]  }
0x110: {  	v3 =	vld [tilespmem:s21+$0xFFFFFE30]  }
0x111: {  	v4 =	vld [tilespmem:s21+$0xFFFFFE80]  }
0x112: {  	v5 =	vld [tilespmem:s21+$0xFFFFFE90];
	v0 =	vmul.f32 $8.000000000e+00, v0  }
0x113: {  	v6 =	vld [tilespmem:s21+$0xFFFFFEA0];
	v1 =	vmul.f32 $8.000000000e+00, v1  }
0x114: {  	v7 =	vld [tilespmem:s21+$0xFFFFFEB0];
	v2 =	vmul.f32 $8.000000000e+00, v2;
	[tilespmem:s21+$0x1B0] =	vst v0  }
0x115: {  	[tilespmem:s21+$0xFFFFFE10] =	vst v1;
	v0 =	vmul.f32 $8.000000000e+00, v3;
	v1 =	vld [tilespmem:s21+$0xFFFFFF00]  }
0x116: {  	[tilespmem:s21+$0xFFFFFE20] =	vst v2;
	v2 =	vmul.f32 $8.000000000e+00, v4;
	v3 =	vld [tilespmem:s21+$0xFFFFFF10]  }
0x117: {  	v4 =	vld [tilespmem:s21+$0xFFFFFF20];
	[tilespmem:s21+$0xFFFFFE30] =	vst v0;
	v0 =	vmul.f32 $8.000000000e+00, v5  }
0x118: {  	[tilespmem:s21+$0xFFFFFE80] =	vst v2;
	v2 =	vmul.f32 $8.000000000e+00, v6;
	v5 =	vld [tilespmem:s21+$0xFFFFFF30]  }
0x119: {  	v6 =	vld [tilespmem:s21+$0xFFFFFF80];
	[tilespmem:s21+$0xFFFFFE90] =	vst v0;
	v0 =	vmul.f32 $8.000000000e+00, v7  }
0x11a: {  	[tilespmem:s21+$0xFFFFFEA0] =	vst v2;
	v2 =	vld [tilespmem:s21+$0xFFFFFF90];
	v1 =	vmul.f32 $8.000000000e+00, v1  }
0x11b: {  	[tilespmem:s21+$0xFFFFFEB0] =	vst v0;
	v0 =	vmul.f32 $8.000000000e+00, v3;
	v3 =	vld [tilespmem:s21+$0xFFFFFFA0]  }
0x11c: {  	[tilespmem:s21+$0xFFFFFF00] =	vst v1;
	v1 =	vmul.f32 $8.000000000e+00, v4;
	v4 =	vld [tilespmem:s21+$0xFFFFFFB0]  }
0x11d: {  	[tilespmem:s21+$0xFFFFFF10] =	vst v0;
	v0 =	vmul.f32 $8.000000000e+00, v5;
	v5 =	vld [tilespmem:s21+$0x0]  }
0x11e: {  	[tilespmem:s21+$0xFFFFFF20] =	vst v1;
	v1 =	vmul.f32 $8.000000000e+00, v6;
	v6 =	vld [tilespmem:s21+$0x10]  }
0x11f: {  	[tilespmem:s21+$0xFFFFFF30] =	vst v0;
	v0 =	vmul.f32 $8.000000000e+00, v2;
	v2 =	vld [tilespmem:s21+$0x20]  }
0x120: {  	[tilespmem:s21+$0xFFFFFF80] =	vst v1;
	v1 =	vmul.f32 $8.000000000e+00, v3;
	v3 =	vld [tilespmem:s21+$0x30]  }
0x121: {  	[tilespmem:s21+$0xFFFFFF90] =	vst v0;
	v0 =	vmul.f32 $8.000000000e+00, v4;
	v4 =	vld [tilespmem:s21+$0x80]  }
0x122: {  	[tilespmem:s21+$0xFFFFFFA0] =	vst v1;
	v1 =	vmul.f32 $8.000000000e+00, v5;
	v5 =	vld [tilespmem:s21+$0x90]  }
0x123: {  	[tilespmem:s21+$0xFFFFFFB0] =	vst v0;
	v0 =	vmul.f32 $8.000000000e+00, v6;
	v6 =	vld [tilespmem:s21+$0xA0]  }
0x124: {  	[tilespmem:s21+$0x0] =	vst v1;
	v1 =	vmul.f32 $8.000000000e+00, v2;
	v2 =	vld [tilespmem:s21+$0xB0]  }
0x125: {  	[tilespmem:s21+$0x10] =	vst v0;
	v0 =	vmul.f32 $8.000000000e+00, v3;
	v3 =	vld [tilespmem:s21+$0x100]  }
0x126: {  	[tilespmem:s21+$0x20] =	vst v1;
	v1 =	vmul.f32 $8.000000000e+00, v4;
	v4 =	vld [tilespmem:s21+$0x110]  }
0x127: {  	v7 =	vld [tilespmem:s21+$0x120];
	[tilespmem:s21+$0x30] =	vst v0;
	v5 =	vmul.f32 $8.000000000e+00, v5  }
0x128: {  	v0 =	vld [tilespmem:s21+$0x130];
	[tilespmem:s21+$0x80] =	vst v1;
	v6 =	vmul.f32 $8.000000000e+00, v6  }
0x129: {  	v1 =	vld [tilespmem:s21+$0x180];
	[tilespmem:s21+$0x90] =	vst v5;
	v5 =	vmul.f32 $8.000000000e+00, v2  }
0x12a: {  	v2 =	vld [tilespmem:s21+$0x190];
	[tilespmem:s21+$0xA0] =	vst v6;
	v6 =	vmul.f32 $8.000000000e+00, v3  }
0x12b: {  	v3 =	vld [tilespmem:s21+$0x1A0];
	[tilespmem:s21+$0xB0] =	vst v5;
	v5 =	vmul.f32 $8.000000000e+00, v4  }
0x12c: {  	s22 =	simm.s32 $0x0;
	s23 =	simm.s32 $0xEA00;
	v4 =	vld [tilespmem:s21+$0xFFFFFE00];
	[tilespmem:s21+$0x100] =	vst v6;
	v6 =	vmul.f32 $8.000000000e+00, v7  }
.LBB2_10:
0x12d: {  	v7 =	vld [tilespmem:s23+$0x1B0];
	s22 =	sadd.s32 $0x8, s22;
	[tilespmem:s21+$0x110] =	vst v5;
	v0 =	vmul.f32 $8.000000000e+00, v0  }
0x12e: {  	v5 =	vld [tilespmem:s23+$0xFFFFFE10];
	p0 =	slt.u32 s22, $0xF8;
	[tilespmem:s21+$0x120] =	vst v6;
	v1 =	vmul.f32 $8.000000000e+00, v1  }
0x12f: {  	v6 =	vld [tilespmem:s23+$0xFFFFFE20];
	[tilespmem:s21+$0x130] =	vst v0;
	v0 =	vmul.f32 $8.000000000e+00, v2  }
0x130: {  	v2 =	vld [tilespmem:s23+$0xFFFFFE30];
	[tilespmem:s21+$0x180] =	vst v1;
	v1 =	vmul.f32 $8.000000000e+00, v3  }
0x131: {  	v3 =	vld [tilespmem:s23+$0xFFFFFE80];
	v4 =	vmul.f32 $8.000000000e+00, v4;
	[tilespmem:s21+$0x190] =	vst v0  }
0x132: {  	v0 =	vld [tilespmem:s23+$0xFFFFFE90];
	v7 =	vmul.f32 $8.000000000e+00, v7;
	[tilespmem:s21+$0x1A0] =	vst v1  }
0x133: {  	v1 =	vmul.f32 $8.000000000e+00, v5;
	v5 =	vld [tilespmem:s23+$0xFFFFFEA0];
	[tilespmem:s21+$0xFFFFFE00] =	vst v4;
	s21 =	smov.u32 s23  }
0x134: {  	v4 =	vmul.f32 $8.000000000e+00, v6;
	v6 =	vld [tilespmem:s23+$0xFFFFFEB0];
	[tilespmem:s23+$0x1B0] =	vst v7  }
0x135: {  	[tilespmem:s23+$0xFFFFFE10] =	vst v1;
	v1 =	vmul.f32 $8.000000000e+00, v2;
	v2 =	vld [tilespmem:s23+$0xFFFFFF00]  }
0x136: {  	[tilespmem:s23+$0xFFFFFE20] =	vst v4;
	v3 =	vmul.f32 $8.000000000e+00, v3;
	v4 =	vld [tilespmem:s23+$0xFFFFFF10]  }
0x137: {  	[tilespmem:s23+$0xFFFFFE30] =	vst v1;
	v0 =	vmul.f32 $8.000000000e+00, v0;
	v1 =	vld [tilespmem:s23+$0xFFFFFF20]  }
0x138: {  	[tilespmem:s23+$0xFFFFFE80] =	vst v3;
	v3 =	vmul.f32 $8.000000000e+00, v5;
	v5 =	vld [tilespmem:s23+$0xFFFFFF30]  }
0x139: {  	[tilespmem:s23+$0xFFFFFE90] =	vst v0;
	v0 =	vmul.f32 $8.000000000e+00, v6;
	v6 =	vld [tilespmem:s23+$0xFFFFFF80]  }
0x13a: {  	[tilespmem:s23+$0xFFFFFEA0] =	vst v3;
	v2 =	vmul.f32 $8.000000000e+00, v2;
	v3 =	vld [tilespmem:s23+$0xFFFFFF90]  }
0x13b: {  	[tilespmem:s23+$0xFFFFFEB0] =	vst v0;
	v0 =	vmul.f32 $8.000000000e+00, v4;
	v4 =	vld [tilespmem:s23+$0xFFFFFFA0]  }
0x13c: {  	[tilespmem:s23+$0xFFFFFF00] =	vst v2;
	v1 =	vmul.f32 $8.000000000e+00, v1;
	v2 =	vld [tilespmem:s23+$0xFFFFFFB0]  }
0x13d: {  	[tilespmem:s23+$0xFFFFFF10] =	vst v0;
	v0 =	vmul.f32 $8.000000000e+00, v5;
	v5 =	vld [tilespmem:s23+$0x0]  }
0x13e: {  	[tilespmem:s23+$0xFFFFFF20] =	vst v1;
	v1 =	vmul.f32 $8.000000000e+00, v6;
	v6 =	vld [tilespmem:s23+$0x10]  }
0x13f: {  	[tilespmem:s23+$0xFFFFFF30] =	vst v0;
	v0 =	vmul.f32 $8.000000000e+00, v3;
	v3 =	vld [tilespmem:s23+$0x20]  }
0x140: {  	[tilespmem:s23+$0xFFFFFF80] =	vst v1;
	v1 =	vmul.f32 $8.000000000e+00, v4;
	v4 =	vld [tilespmem:s23+$0x30]  }
0x141: {  	[tilespmem:s23+$0xFFFFFF90] =	vst v0;
	v0 =	vmul.f32 $8.000000000e+00, v2;
	v2 =	vld [tilespmem:s23+$0x80]  }
0x142: {  	[tilespmem:s23+$0xFFFFFFA0] =	vst v1;
	v1 =	vmul.f32 $8.000000000e+00, v5;
	v5 =	vld [tilespmem:s23+$0x90]  }
0x143: {  	[tilespmem:s23+$0xFFFFFFB0] =	vst v0;
	v0 =	vmul.f32 $8.000000000e+00, v6;
	v6 =	vld [tilespmem:s23+$0xA0]  }
0x144: {  	[tilespmem:s23+$0x0] =	vst v1;
	v1 =	vmul.f32 $8.000000000e+00, v3;
	v3 =	vld [tilespmem:s23+$0xB0]  }
0x145: {  	[tilespmem:s23+$0x10] =	vst v0;
	v0 =	vmul.f32 $8.000000000e+00, v4;
	v4 =	vld [tilespmem:s23+$0x100]  }
0x146: {  	[tilespmem:s23+$0x20] =	vst v1;
	v1 =	vmul.f32 $8.000000000e+00, v2;
	v7 =	vld [tilespmem:s23+$0x110]  }
0x147: {  	[tilespmem:s23+$0x30] =	vst v0;
	v2 =	vmul.f32 $8.000000000e+00, v5;
	v8 =	vld [tilespmem:s23+$0x120]  }
.Ltmp4:
0x148: {  	[tilespmem:s23+$0x80] =	vst v1;
	v5 =	vmul.f32 $8.000000000e+00, v6;
	v0 =	vld [tilespmem:s23+$0x130];
	(pc) =	sbr.rel @p0 .LBB2_10-.Ltmp4, $4  }
0x149: {  	[tilespmem:s23+$0x90] =	vst v2;
	v3 =	vmul.f32 $8.000000000e+00, v3;
	v1 =	vld [tilespmem:s23+$0x180]  }
0x14a: {  	[tilespmem:s23+$0xA0] =	vst v5;
	v6 =	vmul.f32 $8.000000000e+00, v4;
	v2 =	vld [tilespmem:s23+$0x190]  }
0x14b: {  	[tilespmem:s23+$0xB0] =	vst v3;
	v5 =	vmul.f32 $8.000000000e+00, v7;
	v3 =	vld [tilespmem:s23+$0x1A0]  }
0x14c: {  	s23 =	sadd.s32 $0x400, s23;
	v4 =	vld [tilespmem:s21+$0xFFFFFE00];
	[tilespmem:s21+$0x100] =	vst v6;
	v6 =	vmul.f32 $8.000000000e+00, v8  }
0x14d: {  	[tilespmem:s21+$0x110] =	vst v5;
	v0 =	vmul.f32 $8.000000000e+00, v0  }
0x14e: {  	[tilespmem:s21+$0x120] =	vst v6;
	v1 =	vmul.f32 $8.000000000e+00, v1  }
0x14f: {  	[tilespmem:s21+$0x130] =	vst v0;
	v61 =	vmul.f32 $8.000000000e+00, v2  }
0x150: {  	[tilespmem:s21+$0x180] =	vst v1;
	v62 =	vmul.f32 $8.000000000e+00, v3  }
0x151: {  	s20 =	sadd.s32 $0x1, s20;
	v63 =	vmul.f32 $8.000000000e+00, v4;
	[tilespmem:s21+$0x190] =	vst v61  }
0x152: {  	p0 =	sne.s32 s20, s9;
	[tilespmem:s21+$0x1A0] =	vst v62  }
.Ltmp5:
0x153: {  	[tilespmem:s21+$0xFFFFFE00] =	vst v63;
	(pc) =	sbr.rel @p0 .LBB2_1-.Ltmp5, $4  }
0x154: {  	[hbm4b:s8+s2] =	stream.linear.scatter [tilespmem:s14], [sflag:$0x3], $0x8000, $0x38;
	[tilespmem:$0x16400] =	vst v63  }
0x155: {  	_ =	swait.ge [sflag:s10], $0x8000  }
0x156: {  	[sflag:s10] =	ssyncset.done $0x0  }
0x157: {  	[sflag:s10] =	ssyncadd.s32 $0xFFFF8000  }
0x158: {  	_ =	sfence.sel $0x180000  }
0x159: {  	[bflag:$0x0] =	sbarrier.arrive $0xFFFF  }
0x15a: {  	p0 =	sne.s32 s0, $0x0;
	_ =	strace $0x90000047  }
0x15b: {  	s0 =	sadd.s32 @!p0 $0x100000, s1;
	[bflag:$0x2] =	sbarrier.arrive $0xFFFF  }
0x15c: {  	[sflag:s0] =	ssyncadd.tile.s32 @!p0 $0x1;
	_ =	shalt  }
.Lfunc_end2:
_tile_overlayer_lowered:
.L_overlay_start_2:
0x15d: {  	(tag) =	ssettag $0x2  }
0x15e: {  	s0 =	rddreg [dreg:$0x0];
	s2 =	stileid.u32  }
0x15f: {  	s1 =	rddreg [dreg:$0x1];
	p0 =	sne.s32 s2, $0x0  }
0x160: {  	s3 =	rddreg [dreg:$0x2];
	[bflag:$0x3] =	sbarrier.arrive $0xFFFF;
	s2 =	simm.s32 @!p0 $0x1C03  }
0x161: {  	[timem:s3], [sflag:s2] =	dma.local @!p0 [hbm:s0], s1  }
0x162: {  	s0 =	simm.s32 @!p0 $0x3  }
0x163: {  	_ =	swait.ge @!p0 [sflag:s0], s1  }
0x164: {  	s1 =	ssub.s32 @!p0 $0x0, s1;
	[sflag:s0] =	ssyncset.done @!p0 $0x0  }
0x165: {  	[sflag:s0] =	ssyncadd.s32 @!p0 s1  }
0x166: {  	[bflag:$0x3] =	sbarrier.arrive $0xFFFF  }
0x167: {  	_ =	shalt  }

// kernel: sparse-core-data-format-call.cloned.1.call-start
scs
called_computation_lowered:
.L_overlay_start_0:
0x0: {  	s2 =	sld [smem:$0x3FD9]  }
0x1: {  	s3 =	sld [smem:$0x3FFE];
	_ =	sdelay $0x1  }
0x2: {  	s1 =	srdreg.scid  }
0x3: {  	s0 =	sand.u32 $0x1, s1  }
0x4: {  	s18 =	sshll.u32 s0, $0xA;
	s2 =	sadd.s32 s3, s2  }
0x5: {  	s2 =	sadd.s32 s2, s18  }
0x6: {  	[smem:$0x3FC6] =	sst s2  }
0x7: {  	_ = 	snop  }
0x8: {  	s2 =	sld [smem:$0x3FD0];
	(tm) =	ssettm $0x1  }
0x9: {  	s19 =	sld [smem:$0x3FFB];
	_ =	sdelay $0x3  }
0xa: {  	_ =	strace s19  }
0xb: {  	s3 =	sld [smem:$0x3FFC];
	_ =	sdelay $0x3  }
0xc: {  	_ =	strace s3  }
0xd: {  	s3 =	sld [smem:$0x3FFD];
	_ =	sdelay $0x3  }
0xe: {  	_ =	strace s3  }
0xf: {  	_ =	strace $0x8FFFFFFF  }
0x10: {  	s20 =	sld [smem:$0x3FDB];
	_ =	sdelay $0x1  }
0x11: {  	s4 =	simm.s32 $_scs_section_size  }
0x12: {  	s5 =	simm.s32 $_size__tile_overlayer_lowered;
	s6 =	simm.s32 $_tile_overlayer_lowered  }
0x13: {  	s23 =	simm.s32 $0x1BFF;
	s22 =	sshll.u32 s6, $0x1;
	s3 =	sadd.s32 s4, s20  }
0x14: {  	s7 =	simm.s32 $0x0;
	s21 =	sshll.u32 s5, $0x1;
	s5 =	sadd.s32 s22, s3  }
0x15: {  	[timem:s7], [sflag:s23] =	dma.local [hbm:s5], s21  }
0x16: {  	_ =	swait.ge [sflag:s23], s21  }
0x17: {  	s4 =	ssub.s32 $0x0, s21;
	[sflag:s23] =	ssyncset.done $0x0  }
0x18: {  	[sflag:s23] =	ssyncadd.s32 s4;
	_ =	sdelay $0x1  }
0x19: {  	s24 =	simm.s32 $0x1B8B  }
0x1a: {  	_ =	swait.ge [sflag:s24], $0x1  }
0x1b: {  	[sflag:s24] =	ssyncset.done $0x0  }
0x1c: {  	s26 =	simm.s32 $0x1B8E;
	s25 =	sld [smem:$0x3FFE];
	[sflag:s24] =	ssyncadd.s32 $0xFFFFFFFF  }
0x1d: {  	s27 =	simm.s32 $execute0_lowered;
	[smem:$0x3FD2] =	sst s26  }
0x1e: {  	s5 =	sshll.u32 s27, $0x1;
	_ =	strace $0x80000049;
	[dreg:$0x1] =	wrdreg $0xFFFFFFFF  }
0x1f: {  	s28 =	simm.s32 $_size_execute0_lowered;
	s3 =	sadd.s32 s3, s5;
	[dreg:$0x0] =	wrdreg $0x0  }
0x20: {  	s5 =	sshll.u32 s28, $0x1;
	[dreg:$0x2] =	wrdreg s3  }
0x21: {  	[dreg:$0x3] =	wrdreg s5  }
0x22: {  	[dreg:$0x4] =	wrdreg $0xC0  }
0x23: {  	_ =	task [dreg:s7], $0x5FFFF  }
0x24: {  	[dreg:$0x1] =	wrdreg $0xFFFFFFFF  }
0x25: {  	[dreg:$0x0] =	wrdreg $0x60  }
0x26: {  	[dreg:$0x2] =	wrdreg s25  }
0x27: {  	[dreg:$0x3] =	wrdreg s2  }
0x28: {  	[dreg:$0x4] =	wrdreg $0x9  }
0x29: {  	_ =	task.clear_ibuf [dreg:s7], $0x5FFFF;
	_ =	strace $0x90000049  }
0x2a: {  	s29 =	simm.s32 $0x9;
	_ =	strace $0x8000004B  }
0x2b: {  	_ =	swait.ge [sflag:s29], $0x1  }
0x2c: {  	[sflag:s29] =	ssyncadd.s32 $0xFFFFFFFF  }
0x2d: {  	_ =	strace $0x9000004B  }
0x2e: {  	_ =	sfence  }
0x2f: {  	s30 =	sld [smem:$0x0];
	_ =	sdelay $0x2  }
0x30: {  	s31 =	sshll.u32 s1, $0xD;
	s1 =	sshrl.u32 s1, $0x2  }
0x31: {  	s3 =	sand.u32 $0x4000, s31;
	s1 =	sadd.s32 s1, s30  }
0x32: {  	s0 =	sor.u32 s3, s0;
	s1 =	sshll.u32 s1, $0x11  }
0x33: {  	s0 =	sor.u32 s1, s0  }
0x34: {  	s0 =	sadd.s32 $0x8F2B, s0  }
0x35: {  	[sflag:s0] =	ssyncadd.remote.s32 $0x1  }
0x36: {  	_ =	sfence.sel $0xFFFF  }
0x37: {  	[dreg:$0x0] =	wrdreg $0xFFFFFFFF;
	(pc) =	sbr.abs _section_cstart, $3  }
0x38: {  	[dreg:$0x1] =	wrdreg $0xFFFFFFFF  }
0x39: {  	_ =	task.clear_ibuf [dreg:s7], $0x2FFFF;
	_ =	strace $0x9FFFFFFF  }
0x3a: {  	(tm) =	ssettm $0x7FFFFFFF  }
0x3b: {  	_ =	shalt  }
tec
execute0_lowered:
.L_overlay_start_1:
0x0: {  	(tag) =	ssettag $0x1  }
0x1: {  	s0 =	srdreg.scid  }
0x2: {  	s1 =	sshll.u32 s0, $0x4  }
0x3: {  	s0 =	stileid.u32;
	s1 =	sand.u32 $0x10, s1  }
0x4: {  	s1 =	sor.u32 s0, s1  }
0x5: {  	s6 =	rddreg [dreg:$0x0];
	s4 =	simm.s32 $0x1;
	s2 =	sshll.u32 s1, $0x7  }
0x6: {  	s7 =	simm.s32 $0x2;
	s12 =	simm.s32 $0x0;
	s1 =	ssub.s32 $0x1000, s2  }
0x7: {  	s8 =	simm.s32 $0x8000;
	s13 =	simm.s32 $0x0;
	s3 =	sand.u32 $0xF80, s1  }
0x8: {  	s9 =	simm.s32 $0x0;
	s5 =	sshrl.u32 s1, $0xC;
	p0 =	sne.s32 s3, $0x0  }
.Ltmp0:
0x9: {  	s1 =	rddreg [dreg:$0x2];
	s4 =	simm.s32 @!p0 $0x0;
	(pc) =	sbr.rel .LBB1_1-.Ltmp0, $4  }
0xa: {  	s11 =	simm.s32 $0x0;
	s3 =	rddreg [dreg:$0x1];
	s5 =	sadd.s32 s4, s5  }
0xb: {  	_ =	strace $0x8000004A;
	s4 =	simm.s32 $0x1;
	s5 =	smul.u32 $0xC8, s5  }
0xc: {  	s6 =	sadd.s32 $0xA00, s6;
	s10 =	smov.u32 s2;
	[sflag:s4] =	ssyncpa.u1 $0x0  }
0xd: {  	p0 =	por $0x0, $0x0;
	[sflag:s7] =	ssyncpa.u1 $0x0;
	s7 =	sor.u32 $0x1, s5  }
.LBB1_4:
0xe: {  	s16 =	sshll.u32 s13, $0x3;
	s17 =	sand.u32 $0x78, s13  }
0xf: {  	s30 =	sand.u32 $0x7E00, s13;
	s12 =	sshll.u32 s12, $0xF;
	s16 =	sand.u32 $0xC00, s16  }
0x10: {  	[tilespmem:s15+$0x810 ss:$0x81] =	vst.msk $0xffff, v2;
	s31 =	sand.u32 $0x7, s13;
	s16 =	sor.u32 s17, s16;
	s17 =	sadd.s32 s3, s30  }
0x11: {  	[tilespmem:s15+$0x1020 ss:$0x81] =	vst.msk $0xffff, v0;
	s13 =	sshll.u32 s31, $0x12;
	s12 =	sadd.s32 s12, s17;
	s16 =	sshrl.u32 s16, $0x3  }
0x12: {  	[tilespmem:s15+$0x0 ss:$0x81] =	vst.msk $0xffff, v1;
	s13 =	sor.u32 $0x400, s13;
	s12 =	sadd.s32 s16, s12  }
0x13: {  	[hbm4b:s12+s13] =	stream.strided.scatter [tilespmem:s14], [sflag:$0x2], $0x2000, s8, s13, $0x20;
	[tilespmem:$0x8080] =	vst v63  }
.LBB1_5:
0x14: {  	s14 =	sadd.s32 $0x1, s9  }
0x15: {  	s12 =	sadd.s32 $0x1000, s10;
	s16 =	smov.u32 s10;
	p2 =	sgt.s32 s14, $0xC7  }
0x16: {  	s16 =	smov.u32 @p2 s12  }
0x17: {  	s14 =	simm.s32 @p2 $0x0;
	p2 =	sgt.s32 s16, $0xFFF  }
0x18: {  	s16 =	smov.u32 @p2 s2;
	p2 =	sne.s32 s11, s7  }
.Ltmp1:
0x19: {  	p1 =	slt.u32 s11, $0x2;
	(pc) =	sbr.rel @!p2 .LBB1_6-.Ltmp1, $4  }
0x1a: {  	s15 =	simm.s32 @!p1 $0x2  }
0x1b: {  	s13 =	smov.u32 s10;
	p0 =	por !p0, !p0;
	_ =	swait.ge @!p1 [sflag:s15], $0x2000  }
0x1c: {  	s12 =	smov.u32 s9;
	[sflag:s15] =	ssyncset.done @!p1 $0x0;
	s9 =	smov.u32 s14  }
0x1d: {  	s11 =	sadd.s32 $0x1, s11;
	[sflag:s15] =	ssyncadd.s32 @!p1 $0xFFFFE000;
	s10 =	smov.u32 s16  }
.LBB1_1:
0x1e: {  	p1 =	sge.u32 s11, s5  }
0x1f: {  	s14 =	sand.u32 @!p1 $0x1FFFFFF, s9  }
0x20: {  	s15 =	smulhi.u32 @!p1 $0x147AE15, s14;
	_ =	sdelay $0x1  }
0x21: {  	s15 =	smul.u32 @!p1 $0xC8, s15  }
0x22: {  	s16 =	sxor.u32 @!p1 $0xFFFFFFFF, s11;
	s17 =	smul.u32 @!p1 $0xC80, s10  }
0x23: {  	s31 =	sadd.s32 $0xFFFFFFFF, s11;
	s16 =	sshll.u32 @!p1 s16, $0xD;
	s14 =	ssub.s32 @!p1 s14, s15  }
0x24: {  	s15 =	sand.u32 @!p1 $0x2000, s16;
	s16 =	sadd.s32 @!p1 s6, s17;
	s14 =	sshll.u32 @!p1 s14, $0x4  }
0x25: {  	s17 =	simm.s32 @!p1 $0x6400;
	s14 =	sadd.s32 @!p1 s14, s16;
	s16 =	simm.s32 @!p1 $0x40  }
0x26: {  	[tilespmem:s15], [sflag:$0x1] =	stream.strided.gather @!p1 [hbm4b:s14+s16], $0x2000, s17, s16, $0x38;
	[tilespmem:$0x8080] =	vst v63  }
0x27: {  	p1 =	sge.u32 s31, s5  }
.Ltmp2:
0x28: {  	_ = 	snop;
	(pc) =	sbr.rel @p1 .LBB1_5-.Ltmp2, $1  }
0x29: {  	_ =	sdelay $0x3  }
0x2a: {  	s14 =	simm.s32 $0x1  }
0x2b: {  	_ =	swait.ge [sflag:s4], $0x2000;
	s14 =	simm.s32 @!p0 $0x0  }
0x2c: {  	[sflag:s4] =	ssyncset.done $0x0;
	s15 =	sshll.u32 s14, $0xD  }
0x2d: {  	[sflag:s4] =	ssyncadd.s32 $0xFFFFE000;
	s18 =	sor.u32 $0x20, s15  }
0x2e: {  	s14 =	smul.u32 $0x8100, s14;
	v3 =	vld [tilespmem:s18+$0x10]  }
0x2f: {  	s30 =	sand.u32 $0x1, s11;
	v2 =	vld [tilespmem:s18+$0xFFFFFFF0]  }
0x30: {  	s15 =	smul.u32 $0x8100, s30;
	s14 =	sshrl.u32 s14, $0x2;
	v0 =	vld [tilespmem:s18+$0x0]  }
0x31: {  	v1 =	vld [tilespmem:s18+$0xFFFFFFE0];
	s16 =	sor.u32 $0x4000, s14  }
0x32: {  	s31 =	sshrl.u32 s15, $0x2;
	s15 =	sadd.s32 $0x0, s16  }
0x33: {  	s17 =	simm.s32 $0x4;
	s18 =	sadd.s32 $0x40, s18;
	s14 =	sor.u32 $0x4000, s31;
	[tilespmem:s15+$0x1830 ss:$0x81] =	vst.msk $0xffff, v3  }
.LBB1_3:
0x34: {  	v3 =	vld [tilespmem:s18+$0x10];
	p1 =	sne.s32 s17, $0x1FC;
	[tilespmem:s15+$0x810 ss:$0x81] =	vst.msk $0xffff, v2;
	s19 =	smov.u32 s17;
	s17 =	sadd.s32 $0x4, s17  }
.Ltmp3:
0x35: {  	v2 =	vld [tilespmem:s18+$0xFFFFFFF0];
	[tilespmem:s15+$0x1020 ss:$0x81] =	vst.msk $0xffff, v0;
	(pc) =	sbr.rel @p1 .LBB1_3-.Ltmp3, $4  }
0x36: {  	v0 =	vld [tilespmem:s18+$0x0];
	[tilespmem:s15+$0x0 ss:$0x81] =	vst.msk $0xffff, v1  }
0x37: {  	s15 =	sshra.s32 s19, $0x2;
	v1 =	vld [tilespmem:s18+$0xFFFFFFE0]  }
0x38: {  	s15 =	sadd.s32 s15, s16  }
0x39: {  	s18 =	sadd.s32 $0x40, s18;
	[tilespmem:s15+$0x1830 ss:$0x81] =	vst.msk $0xffff, v3  }
.Ltmp4:
0x3a: {  	_ = 	snop;
	(pc) =	sbr.rel .LBB1_4-.Ltmp4, $1  }
0x3b: {  	_ =	sdelay $0x3  }
.LBB1_6:
0x3c: {  	_ =	sfence.sel $0x180000  }
0x3d: {  	s2 =	simm.s32 $0x1;
	[bflag:$0x0] =	sbarrier.arrive $0xFFFF  }
0x3e: {  	s31 =	simm.s32 $0x2;
	[sflag:s2] =	ssyncpa.u1 $0x1  }
0x3f: {  	[sflag:s31] =	ssyncpa.u1 $0x1  }
0x40: {  	p0 =	sne.s32 s0, $0x0;
	_ =	strace $0x9000004A  }
0x41: {  	s0 =	sadd.s32 @!p0 $0x100000, s1;
	[bflag:$0x2] =	sbarrier.arrive $0xFFFF  }
0x42: {  	[sflag:s0] =	ssyncadd.tile.s32 @!p0 $0x1;
	_ =	shalt  }
.Lfunc_end1:
_tile_overlayer_lowered:
.L_overlay_start_2:
0x43: {  	(tag) =	ssettag $0x2  }
0x44: {  	s0 =	rddreg [dreg:$0x0];
	s2 =	stileid.u32  }
0x45: {  	s1 =	rddreg [dreg:$0x1];
	p0 =	sne.s32 s2, $0x0  }
0x46: {  	s3 =	rddreg [dreg:$0x2];
	[bflag:$0x3] =	sbarrier.arrive $0xFFFF;
	s2 =	simm.s32 @!p0 $0x1C01  }
0x47: {  	[timem:s3], [sflag:s2] =	dma.local @!p0 [hbm:s0], s1  }
0x48: {  	s0 =	simm.s32 @!p0 $0x1  }
0x49: {  	_ =	swait.ge @!p0 [sflag:s0], s1  }
0x4a: {  	s1 =	ssub.s32 @!p0 $0x0, s1;
	[sflag:s0] =	ssyncset.done @!p0 $0x0  }
0x4b: {  	[sflag:s0] =	ssyncadd.s32 @!p0 s1  }
0x4c: {  	[bflag:$0x3] =	sbarrier.arrive $0xFFFF  }
0x4d: {  	_ =	shalt  }

</sc_bundles>
